<compile_context>
chip_gen: v7x
topology: tpu7x:2x2x1
jax: 0.10.2.dev20260603
libtpu: 0.0.44.dev20260713+nightly
codegen_flags: <defaults>
</compile_context>

<pallas_src>
import functools

import jax
import jax.numpy as jnp
from jax import lax
from jax.experimental import pallas as pl
from jax.experimental.pallas import tpu as pltpu
from jax.experimental.pallas import tpu_sc as plsc

_SC_PARAMS = pltpu.CompilerParams(use_tc_tiling_on_sc=False)

_NC = 2
_NS = 16
_BLK = 1024


_DEGW = 16


def _sc_degree(dstr, zeros1, ones1, n_pad):
    kd = dstr.shape[1]
    c = dstr.shape[2]
    stripe = n_pad // _NS
    mesh = plsc.VectorSubcoreMesh(core_axis_name="c", subcore_axis_name="s", num_cores=_NC, num_subcores=_NS)

    @functools.partial(
        pl.kernel,
        out_type=jax.ShapeDtypeStruct((_NC, n_pad, _DEGW), jnp.float32),
        mesh=mesh,
        compiler_params=_SC_PARAMS,
        scratch_types=[
            pltpu.VMEM((kd, c), jnp.int32),
            pltpu.VMEM((c, _DEGW), jnp.float32),
            pltpu.VMEM_SHARED((n_pad, _DEGW), jnp.float32),
        ],
    )
    def k(dstr_h, zeros_h, ones_h, out_h, didx, ones_v, acc):
        c = lax.axis_index("c")
        s = lax.axis_index("s")
        wid = s * _NC + c
        pltpu.sync_copy(zeros_h, acc.at[pl.ds(s * stripe, stripe)])
        pltpu.sync_copy(dstr_h.at[wid], didx)
        pltpu.sync_copy(ones_h, ones_v)
        plsc.subcore_barrier()

        def body(j, carry):
            pltpu.sync_copy(ones_v, acc.at[didx.at[j]], add=True)
            return carry

        lax.fori_loop(0, kd, body, 0)
        plsc.subcore_barrier()
        pltpu.sync_copy(acc.at[pl.ds(s * stripe, stripe)],
                        out_h.at[c, pl.ds(s * stripe, stripe)])

    return k(dstr, zeros1, ones1)


def _sc_scatter(y, srcr, dstr, zeros, n_pad, f, c):
    kd = srcr.shape[1]
    stripe = n_pad // _NS
    mesh = plsc.VectorSubcoreMesh(core_axis_name="c", subcore_axis_name="s", num_cores=_NC, num_subcores=_NS)

    @functools.partial(
        pl.kernel,
        out_type=jax.ShapeDtypeStruct((_NC, n_pad, f), jnp.float32),
        mesh=mesh,
        compiler_params=_SC_PARAMS,
        scratch_types=[
            pltpu.VMEM((kd, c), jnp.int32),
            pltpu.VMEM((kd, c), jnp.int32),
            pltpu.VMEM((2 * c, f), jnp.float32),
            pltpu.VMEM_SHARED((n_pad, f), jnp.float32),
            pltpu.SemaphoreType.DMA((2,)),
            pltpu.SemaphoreType.DMA((2,)),
        ],
    )
    def k(y_h, srcr_h, dstr_h, zeros_h, out_h, sidx, didx, rows, acc, gsem,
          ssem):
        cc = lax.axis_index("c")
        s = lax.axis_index("s")
        wid = s * _NC + cc
        pltpu.sync_copy(zeros_h, acc.at[pl.ds(s * stripe, stripe)])
        pltpu.sync_copy(srcr_h.at[wid], sidx)
        pltpu.sync_copy(dstr_h.at[wid], didx)
        plsc.subcore_barrier()

        def wait_scatter(sem_slot):
            pltpu.make_async_copy(rows.at[pl.ds(0, c)], acc.at[didx.at[0]],
                                  ssem.at[sem_slot]).wait()

        pltpu.async_copy(y_h.at[sidx.at[0]], rows.at[pl.ds(0, c)], gsem.at[0])

        def body(j, carry):
            par = lax.rem(j, 2)
            nxt = lax.rem(j + 1, 2)

            @pl.when(j >= 1)
            def _free():
                wait_scatter(nxt)

            @pl.when(j + 1 < kd)
            def _prefetch():
                pltpu.async_copy(y_h.at[sidx.at[j + 1]],
                                 rows.at[pl.ds(nxt * c, c)], gsem.at[nxt])

            pltpu.make_async_copy(y_h.at[sidx.at[0]], rows.at[pl.ds(0, c)],
                                  gsem.at[par]).wait()
            pltpu.async_copy(rows.at[pl.ds(par * c, c)], acc.at[didx.at[j]],
                             ssem.at[par], add=True)
            return carry

        lax.fori_loop(0, kd, body, 0)
        wait_scatter((kd - 1) % 2)
        plsc.subcore_barrier()
        pltpu.sync_copy(acc.at[pl.ds(s * stripe, stripe)],
                        out_h.at[cc, pl.ds(s * stripe, stripe)])

    return k(y, srcr, dstr, zeros)


def _tc_matmul(x, w):
    n, d = x.shape
    f = w.shape[1]

    def body(x_r, w_r, o_r):
        o_r[...] = jnp.dot(x_r[...], w_r[...], preferred_element_type=jnp.float32)

    return pl.pallas_call(
        body,
        grid=(n // _BLK,),
        in_specs=[pl.BlockSpec((_BLK, d), lambda i: (i, 0)),
                  pl.BlockSpec((d, f), lambda i: (0, 0))],
        out_specs=pl.BlockSpec((_BLK, f), lambda i: (i, 0)),
        out_shape=jax.ShapeDtypeStruct((n, f), jnp.float32),
    )(x, w)


def _tc_scale(degp, xw):
    n, d = xw.shape

    def body(dp_r, xw_r, y_r, di_r):
        dinv = lax.rsqrt(dp_r[0, :, 0:1] + dp_r[1, :, 0:1] + 1.0)
        di_r[...] = dinv
        y_r[...] = xw_r[...] * dinv

    return pl.pallas_call(
        body,
        grid=(n // _BLK,),
        in_specs=[pl.BlockSpec((2, _BLK, _DEGW), lambda i: (0, i, 0)),
                  pl.BlockSpec((_BLK, d), lambda i: (i, 0))],
        out_specs=[pl.BlockSpec((_BLK, d), lambda i: (i, 0)),
                   pl.BlockSpec((_BLK, 1), lambda i: (i, 0))],
        out_shape=[jax.ShapeDtypeStruct((n, d), jnp.float32),
                   jax.ShapeDtypeStruct((n, 1), jnp.float32)],
    )(degp, xw)


def _tc_mid(parts, y1, dinv, b1, w2):
    n, d = y1.shape
    f = w2.shape[1]

    def body(p_r, y_r, di_r, b_r, w_r, o_r):
        agg = p_r[0] + p_r[1] + y_r[...]
        h = jnp.maximum(agg * di_r[...] + b_r[...], 0.0)
        o_r[...] = jnp.dot(h, w_r[...], preferred_element_type=jnp.float32) * di_r[...]

    return pl.pallas_call(
        body,
        grid=(n // _BLK,),
        in_specs=[pl.BlockSpec((2, _BLK, d), lambda i: (0, i, 0)),
                  pl.BlockSpec((_BLK, d), lambda i: (i, 0)),
                  pl.BlockSpec((_BLK, 1), lambda i: (i, 0)),
                  pl.BlockSpec((1, d), lambda i: (0, 0)),
                  pl.BlockSpec((d, f), lambda i: (0, 0))],
        out_specs=pl.BlockSpec((_BLK, f), lambda i: (i, 0)),
        out_shape=jax.ShapeDtypeStruct((n, f), jnp.float32),
    )(parts, y1, dinv, b1.reshape(1, -1), w2)


def _tc_out(parts, y2, dinv, b2, n_out):
    n, f = y2.shape

    def body(p_r, y_r, di_r, b_r, o_r):
        o = (p_r[0] + p_r[1] + y_r[...]) * di_r[...] + b_r[...]
        m = jnp.max(o, axis=-1, keepdims=True)
        lse = jnp.log(jnp.sum(jnp.exp(o - m), axis=-1, keepdims=True)) + m
        o_r[...] = o - lse

    return pl.pallas_call(
        body,
        grid=(n // _BLK,),
        in_specs=[pl.BlockSpec((2, _BLK, f), lambda i: (0, i, 0)),
                  pl.BlockSpec((_BLK, f), lambda i: (i, 0)),
                  pl.BlockSpec((_BLK, 1), lambda i: (i, 0)),
                  pl.BlockSpec((1, f), lambda i: (0, 0))],
        out_specs=pl.BlockSpec((_BLK, f), lambda i: (i, 0)),
        out_shape=jax.ShapeDtypeStruct((n_out, f), jnp.float32),
    )(parts, y2, dinv, b2.reshape(1, -1))


def kernel(x, edge_index, W1, b1, W2, b2):
    n, d_in = x.shape
    e = edge_index.shape[1]
    hid = W1.shape[1]
    out_dim = W2.shape[1]

    n_pad = ((n + 2047) // 2048) * 2048
    nw = _NC * _NS
    stripe = n_pad // _NS

    c_deg = 512
    c1 = 8192 // hid
    c2 = 8192 // out_dim

    def chunked(c):
        kd = -(-e // (nw * c))
        e_pad = nw * kd * c
        pad_idx = (n + (jnp.arange(e_pad - e, dtype=jnp.int32) % (n_pad - n))
                   ).astype(jnp.int32)
        srcr = jnp.concatenate([edge_index[0], pad_idx]).reshape(nw, kd, c)
        dstr = jnp.concatenate([edge_index[1], pad_idx]).reshape(nw, kd, c)
        return srcr, dstr

    srcr1, dstr1 = chunked(c1)
    srcr2, dstr2 = chunked(c2)
    _, dstrd = chunked(c_deg)

    x_p = jnp.pad(x, ((0, n_pad - n), (0, 0)))
    zeros_hid = jnp.zeros((stripe, hid), jnp.float32)
    zeros_out = jnp.zeros((stripe, out_dim), jnp.float32)
    zeros_deg = jnp.zeros((stripe, _DEGW), jnp.float32)
    ones_deg = jnp.ones((c_deg, _DEGW), jnp.float32)

    degp = _sc_degree(dstrd, zeros_deg, ones_deg, n_pad)
    xw1 = _tc_matmul(x_p, W1)
    y1, dinv = _tc_scale(degp, xw1)
    p1 = _sc_scatter(y1, srcr1, dstr1, zeros_hid, n_pad, hid, c1)
    y2 = _tc_mid(p1, y1, dinv, b1, W2)
    p2 = _sc_scatter(y2, srcr2, dstr2, zeros_out, n_pad, out_dim, c2)
    return _tc_out(p2, y2, dinv, b2, n)

# --- scband reference (transcript-rebuilt; emitter-appended) ---
"""Pipeline reference for scband-gcn-35476429865007 (READ-ONLY COPY).

The authoritative reference and input builder live on the scoring server;
editing this copy changes nothing except your own understanding.
"""

import jax, jax.numpy as jnp
import numpy as np

N_NODES = 10000
IN_DIM = 128
HID_DIM = 128
OUT_DIM = 64
N_EDGES = 320000


def gcn_conv(x, edge_index, W, b):
    n = x.shape[0]
    xw = x @ W
    src = edge_index[0]
    dst = edge_index[1]
    loop = jnp.arange(n, dtype=src.dtype)
    src = jnp.concatenate([src, loop])
    dst = jnp.concatenate([dst, loop])
    deg = jnp.zeros((n,), dtype=xw.dtype).at[dst].add(1.0)
    dinv = jnp.where(deg > 0, jax.lax.rsqrt(jnp.maximum(deg, 1e-12)), 0.0)
    norm = dinv[src] * dinv[dst]
    msg = jnp.take(xw, src, axis=0) * norm[:, None]
    out = jnp.zeros_like(xw).at[dst].add(msg)
    return out + b


def setup_inputs(seed: int = 0) -> dict:
    key = jax.random.key(seed)
    ks = jax.random.split(key, 6)
    x = jax.random.normal(ks[0], (N_NODES, IN_DIM), dtype=jnp.float32)
    edge_index = jax.random.randint(ks[1], (2, N_EDGES), 0, N_NODES, dtype=jnp.int32)
    W1 = jax.random.normal(ks[2], (IN_DIM, HID_DIM), dtype=jnp.float32) * 0.05
    b1 = jnp.zeros((HID_DIM,), dtype=jnp.float32)
    W2 = jax.random.normal(ks[3], (HID_DIM, OUT_DIM), dtype=jnp.float32) * 0.05
    b2 = jnp.zeros((OUT_DIM,), dtype=jnp.float32)
    return {"x": x, "edge_index": edge_index, "W1": W1, "b1": b1, "W2": W2, "b2": b2}


def reference(x, edge_index, W1, b1, W2, b2):
    h = gcn_conv(x, edge_index, W1, b1)
    h = jax.nn.relu(h)
    # dropout is identity in eval mode (training=False)
    out = gcn_conv(h, edge_index, W2, b2)
    return jax.nn.log_softmax(out, axis=-1)

if __name__ == "__main__":
    import jax
    _d = setup_inputs()
    print(jax.jit(kernel)(*tuple(_d.values())))

</pallas_src>

<mosaic_0001>
#map = affine_map<(d0, d1) -> (0, 0, 0)>
#map1 = affine_map<(d0, d1) -> (0, 0)>
module attributes {stable_mosaic.version = 14 : i64} {
  func.func @k(%arg0: i32, %arg1: i32, %arg2: memref<32x20x512xi32, #tpu.memory_space<hbm>>, %arg3: memref<640x16xf32, #tpu.memory_space<hbm>>, %arg4: memref<512x16xf32, #tpu.memory_space<hbm>>, %arg5: memref<2x10240x16xf32, #tpu.memory_space<hbm>>, %arg6: memref<20x512xi32, #tpu.memory_space<vmem>>, %arg7: memref<512x16xf32, #tpu.memory_space<vmem>>, %arg8: memref<10240x16xf32, #tpu.memory_space<vmem_shared>>) attributes {dimension_semantics = [#tpu.dimension_semantics<core_parallel>, #tpu.dimension_semantics<subcore_parallel>], iteration_bounds = array<i64: 2, 16>, scalar_prefetch = 0 : i64, scratch_operands = 3 : i64, tpu.core_type = #tpu.core_type<sc_vector_subcore>, window_params = [{transform_indices = #map}, {transform_indices = #map1}, {transform_indices = #map1}, {transform_indices = #map}]} {
    %mul3A = arith.constant 2 : i32
    %mul3A_0 = arith.muli %arg1, %mul3A : i32
    %add3A = arith.addi %mul3A_0, %arg0 : i32
    %mul3A_1 = arith.constant 640 : i32
    %mul3A_2 = arith.muli %arg1, %mul3A_1 : i32
    "tpu.region"() ({
      %run_scoped3A = tpu.sem_alloc : memref<!tpu.dma_semaphore, #tpu.memory_space<semaphore_mem>>
      %dma_start3A = arith.constant 0 : i32
      %dma_start3A_13 = tpu.memref_slice %arg8[%mul3A_2, %dma_start3A] : memref<10240x16xf32, #tpu.memory_space<vmem_shared>> -> memref<640x16xf32, #tpu.memory_space<vmem_shared>>
      tpu.enqueue_dma source(%arg3 : memref<640x16xf32, #tpu.memory_space<hbm>>) target(%dma_start3A_13 : memref<640x16xf32, #tpu.memory_space<vmem_shared>>) target_semaphore(%run_scoped3A : memref<!tpu.dma_semaphore, #tpu.memory_space<semaphore_mem>>)
      %dma_wait3A = arith.constant 0 : i32
      %dma_wait3A_14 = tpu.memref_slice %arg8[%mul3A_2, %dma_wait3A] : memref<10240x16xf32, #tpu.memory_space<vmem_shared>> -> memref<640x16xf32, #tpu.memory_space<vmem_shared>>
      tpu.wait_dma2 semaphore(%run_scoped3A : memref<!tpu.dma_semaphore, #tpu.memory_space<semaphore_mem>>) src(%arg3 : memref<640x16xf32, #tpu.memory_space<hbm>>) dst(%dma_wait3A_14 : memref<640x16xf32, #tpu.memory_space<vmem_shared>>)
      tpu.yield
    }) : () -> ()
    "tpu.region"() ({
      %run_scoped3A = tpu.sem_alloc : memref<!tpu.dma_semaphore, #tpu.memory_space<semaphore_mem>>
      %dma_start3A = arith.constant 0 : i32
      %dma_start3A_13 = arith.constant 0 : i32
      %dma_start3A_14 = tpu.memref_slice %arg2[%add3A, %dma_start3A, %dma_start3A_13] : memref<32x20x512xi32, #tpu.memory_space<hbm>> -> memref<1x20x512xi32, #tpu.memory_space<hbm>>
      %dma_start3A_15 = tpu.memref_squeeze %dma_start3A_14 : memref<1x20x512xi32, #tpu.memory_space<hbm>> -> memref<20x512xi32, #tpu.memory_space<hbm>>
      %dma_start3A_16 = arith.constant 0 : i32
      %dma_start3A_17 = arith.constant 0 : i32
      %dma_start3A_18 = tpu.memref_slice %arg2[%add3A, %dma_start3A_16, %dma_start3A_17] : memref<32x20x512xi32, #tpu.memory_space<hbm>> -> memref<1x20x512xi32, #tpu.memory_space<hbm>>
      %dma_start3A_19 = tpu.memref_squeeze %dma_start3A_18 : memref<1x20x512xi32, #tpu.memory_space<hbm>> -> memref<20x512xi32, #tpu.memory_space<hbm>>
      tpu.enqueue_dma source(%dma_start3A_19 : memref<20x512xi32, #tpu.memory_space<hbm>>) target(%arg6 : memref<20x512xi32, #tpu.memory_space<vmem>>) target_semaphore(%run_scoped3A : memref<!tpu.dma_semaphore, #tpu.memory_space<semaphore_mem>>)
      %dma_wait3A = arith.constant 0 : i32
      %dma_wait3A_20 = arith.constant 0 : i32
      %dma_wait3A_21 = tpu.memref_slice %arg2[%add3A, %dma_wait3A, %dma_wait3A_20] : memref<32x20x512xi32, #tpu.memory_space<hbm>> -> memref<1x20x512xi32, #tpu.memory_space<hbm>>
      %dma_wait3A_22 = tpu.memref_squeeze %dma_wait3A_21 : memref<1x20x512xi32, #tpu.memory_space<hbm>> -> memref<20x512xi32, #tpu.memory_space<hbm>>
      %dma_wait3A_23 = arith.constant 0 : i32
      %dma_wait3A_24 = arith.constant 0 : i32
      %dma_wait3A_25 = tpu.memref_slice %arg2[%add3A, %dma_wait3A_23, %dma_wait3A_24] : memref<32x20x512xi32, #tpu.memory_space<hbm>> -> memref<1x20x512xi32, #tpu.memory_space<hbm>>
      %dma_wait3A_26 = tpu.memref_squeeze %dma_wait3A_25 : memref<1x20x512xi32, #tpu.memory_space<hbm>> -> memref<20x512xi32, #tpu.memory_space<hbm>>
      tpu.wait_dma2 semaphore(%run_scoped3A : memref<!tpu.dma_semaphore, #tpu.memory_space<semaphore_mem>>) src(%dma_wait3A_26 : memref<20x512xi32, #tpu.memory_space<hbm>>) dst(%arg6 : memref<20x512xi32, #tpu.memory_space<vmem>>)
      tpu.yield
    }) : () -> ()
    "tpu.region"() ({
      %run_scoped3A = tpu.sem_alloc : memref<!tpu.dma_semaphore, #tpu.memory_space<semaphore_mem>>
      tpu.enqueue_dma source(%arg4 : memref<512x16xf32, #tpu.memory_space<hbm>>) target(%arg7 : memref<512x16xf32, #tpu.memory_space<vmem>>) target_semaphore(%run_scoped3A : memref<!tpu.dma_semaphore, #tpu.memory_space<semaphore_mem>>)
      tpu.wait_dma2 semaphore(%run_scoped3A : memref<!tpu.dma_semaphore, #tpu.memory_space<semaphore_mem>>) src(%arg4 : memref<512x16xf32, #tpu.memory_space<hbm>>) dst(%arg7 : memref<512x16xf32, #tpu.memory_space<vmem>>)
      tpu.yield
    }) : () -> ()
    %barrier3A = arith.constant 0 : index
    tpu.barrier barrier_id(%barrier3A)
    %scan3A = arith.constant 0 : i32
    %scan3A_3 = arith.constant 0 : i32
    %scan3A_4 = arith.constant 20 : i32
    %scan3A_5 = arith.addi %scan3A_3, %scan3A_4 : i32
    %scan3A_6 = arith.constant 1 : i32
    scf.for %scan3A_13 = %scan3A_3 to %scan3A_5 step %scan3A_6  : i32 {
      "tpu.region"() ({
        %run_scoped3A = tpu.sem_alloc : memref<!tpu.dma_semaphore, #tpu.memory_space<semaphore_mem>>
        %dma_start3A = arith.constant 0 : i32
        %dma_start3A_14 = tpu.memref_slice %arg6[%scan3A_13, %dma_start3A] : memref<20x512xi32, #tpu.memory_space<vmem>> -> memref<1x512xi32, #tpu.memory_space<vmem>>
        %dma_start3A_15 = tpu.memref_squeeze %dma_start3A_14 : memref<1x512xi32, #tpu.memory_space<vmem>> -> memref<512xi32, #tpu.memory_space<vmem>>
        %dma_start3A_16 = arith.constant 0 : i32
        %dma_start3A_17 = arith.constant 0 : i32
        %dma_start3A_18 = tpu.memref_slice %arg8[%dma_start3A_16, %dma_start3A_17] : memref<10240x16xf32, #tpu.memory_space<vmem_shared>> -> memref<10240x16xf32, #tpu.memory_space<vmem_shared>>
        tpu.enqueue_indirect_dma source(%arg7 : memref<512x16xf32, #tpu.memory_space<vmem>>) target(%dma_start3A_18 : memref<10240x16xf32, #tpu.memory_space<vmem_shared>>) offsets(%dma_start3A_15 : memref<512xi32, #tpu.memory_space<vmem>>) semaphore(%run_scoped3A : memref<!tpu.dma_semaphore, #tpu.memory_space<semaphore_mem>>) {add = true}
        %dma_wait3A = arith.constant 0 : i32
        %dma_wait3A_19 = tpu.memref_slice %arg6[%scan3A_13, %dma_wait3A] : memref<20x512xi32, #tpu.memory_space<vmem>> -> memref<1x512xi32, #tpu.memory_space<vmem>>
        %dma_wait3A_20 = tpu.memref_squeeze %dma_wait3A_19 : memref<1x512xi32, #tpu.memory_space<vmem>> -> memref<512xi32, #tpu.memory_space<vmem>>
        %dma_wait3A_21 = arith.constant 0 : i32
        %dma_wait3A_22 = arith.constant 0 : i32
        %dma_wait3A_23 = tpu.memref_slice %arg8[%dma_wait3A_21, %dma_wait3A_22] : memref<10240x16xf32, #tpu.memory_space<vmem_shared>> -> memref<10240x16xf32, #tpu.memory_space<vmem_shared>>
        tpu.wait_indirect_dma semaphore(%run_scoped3A : memref<!tpu.dma_semaphore, #tpu.memory_space<semaphore_mem>>) src(%arg7 : memref<512x16xf32, #tpu.memory_space<vmem>>) dst(%dma_wait3A_23 : memref<10240x16xf32, #tpu.memory_space<vmem_shared>>)
        tpu.yield
      }) : () -> ()
    }
    %scan3A_7 = arith.constant 20 : i32
    %barrier3A_8 = arith.constant 0 : index
    tpu.barrier barrier_id(%barrier3A_8)
    %mul3A_9 = arith.constant 640 : i32
    %mul3A_10 = arith.muli %arg1, %mul3A_9 : i32
    %mul3A_11 = arith.constant 640 : i32
    %mul3A_12 = arith.muli %arg1, %mul3A_11 : i32
    "tpu.region"() ({
      %run_scoped3A = tpu.sem_alloc : memref<!tpu.dma_semaphore, #tpu.memory_space<semaphore_mem>>
      %dma_start3A = arith.constant 0 : i32
      %dma_start3A_13 = tpu.memref_slice %arg5[%arg0, %mul3A_12, %dma_start3A] : memref<2x10240x16xf32, #tpu.memory_space<hbm>> -> memref<1x640x16xf32, #tpu.memory_space<hbm>>
      %dma_start3A_14 = tpu.memref_squeeze %dma_start3A_13 : memref<1x640x16xf32, #tpu.memory_space<hbm>> -> memref<640x16xf32, #tpu.memory_space<hbm>>
      %dma_start3A_15 = arith.constant 0 : i32
      %dma_start3A_16 = tpu.memref_slice %arg8[%mul3A_10, %dma_start3A_15] : memref<10240x16xf32, #tpu.memory_space<vmem_shared>> -> memref<640x16xf32, #tpu.memory_space<vmem_shared>>
      tpu.enqueue_dma source(%dma_start3A_16 : memref<640x16xf32, #tpu.memory_space<vmem_shared>>) target(%dma_start3A_14 : memref<640x16xf32, #tpu.memory_space<hbm>>) target_semaphore(%run_scoped3A : memref<!tpu.dma_semaphore, #tpu.memory_space<semaphore_mem>>)
      %dma_wait3A = arith.constant 0 : i32
      %dma_wait3A_17 = tpu.memref_slice %arg5[%arg0, %mul3A_12, %dma_wait3A] : memref<2x10240x16xf32, #tpu.memory_space<hbm>> -> memref<1x640x16xf32, #tpu.memory_space<hbm>>
      %dma_wait3A_18 = tpu.memref_squeeze %dma_wait3A_17 : memref<1x640x16xf32, #tpu.memory_space<hbm>> -> memref<640x16xf32, #tpu.memory_space<hbm>>
      %dma_wait3A_19 = arith.constant 0 : i32
      %dma_wait3A_20 = tpu.memref_slice %arg8[%mul3A_10, %dma_wait3A_19] : memref<10240x16xf32, #tpu.memory_space<vmem_shared>> -> memref<640x16xf32, #tpu.memory_space<vmem_shared>>
      tpu.wait_dma2 semaphore(%run_scoped3A : memref<!tpu.dma_semaphore, #tpu.memory_space<semaphore_mem>>) src(%dma_wait3A_20 : memref<640x16xf32, #tpu.memory_space<vmem_shared>>) dst(%dma_wait3A_18 : memref<640x16xf32, #tpu.memory_space<hbm>>)
      tpu.yield
    }) : () -> ()
    return
  }
}

#map = affine_map<(d0, d1) -> (0, 0)>
#map1 = affine_map<(d0, d1) -> (0, 0, 0)>
module attributes {stable_mosaic.version = 14 : i64} {
  func.func @k(%arg0: i32, %arg1: i32, %arg2: memref<10240x64xf32, #tpu.memory_space<hbm>>, %arg3: memref<32x79x128xi32, #tpu.memory_space<hbm>>, %arg4: memref<32x79x128xi32, #tpu.memory_space<hbm>>, %arg5: memref<640x64xf32, #tpu.memory_space<hbm>>, %arg6: memref<2x10240x64xf32, #tpu.memory_space<hbm>>, %arg7: memref<79x128xi32, #tpu.memory_space<vmem>>, %arg8: memref<79x128xi32, #tpu.memory_space<vmem>>, %arg9: memref<256x64xf32, #tpu.memory_space<vmem>>, %arg10: memref<10240x64xf32, #tpu.memory_space<vmem_shared>>, %arg11: memref<2x!tpu.dma_semaphore, #tpu.memory_space<semaphore_mem>>, %arg12: memref<2x!tpu.dma_semaphore, #tpu.memory_space<semaphore_mem>>) attributes {dimension_semantics = [#tpu.dimension_semantics<core_parallel>, #tpu.dimension_semantics<subcore_parallel>], iteration_bounds = array<i64: 2, 16>, scalar_prefetch = 0 : i64, scratch_operands = 6 : i64, tpu.core_type = #tpu.core_type<sc_vector_subcore>, window_params = [{transform_indices = #map}, {transform_indices = #map1}, {transform_indices = #map1}, {transform_indices = #map}, {transform_indices = #map1}]} {
    %mul3A = arith.constant 2 : i32
    %mul3A_0 = arith.muli %arg1, %mul3A : i32
    %add3A = arith.addi %mul3A_0, %arg0 : i32
    %mul3A_1 = arith.constant 640 : i32
    %mul3A_2 = arith.muli %arg1, %mul3A_1 : i32
    "tpu.region"() ({
      %run_scoped3A = tpu.sem_alloc : memref<!tpu.dma_semaphore, #tpu.memory_space<semaphore_mem>>
      %dma_start3A_37 = arith.constant 0 : i32
      %dma_start3A_38 = tpu.memref_slice %arg10[%mul3A_2, %dma_start3A_37] : memref<10240x64xf32, #tpu.memory_space<vmem_shared>> -> memref<640x64xf32, #tpu.memory_space<vmem_shared>>
      tpu.enqueue_dma source(%arg5 : memref<640x64xf32, #tpu.memory_space<hbm>>) target(%dma_start3A_38 : memref<640x64xf32, #tpu.memory_space<vmem_shared>>) target_semaphore(%run_scoped3A : memref<!tpu.dma_semaphore, #tpu.memory_space<semaphore_mem>>)
      %dma_wait3A_39 = arith.constant 0 : i32
      %dma_wait3A_40 = tpu.memref_slice %arg10[%mul3A_2, %dma_wait3A_39] : memref<10240x64xf32, #tpu.memory_space<vmem_shared>> -> memref<640x64xf32, #tpu.memory_space<vmem_shared>>
      tpu.wait_dma2 semaphore(%run_scoped3A : memref<!tpu.dma_semaphore, #tpu.memory_space<semaphore_mem>>) src(%arg5 : memref<640x64xf32, #tpu.memory_space<hbm>>) dst(%dma_wait3A_40 : memref<640x64xf32, #tpu.memory_space<vmem_shared>>)
      tpu.yield
    }) : () -> ()
    "tpu.region"() ({
      %run_scoped3A = tpu.sem_alloc : memref<!tpu.dma_semaphore, #tpu.memory_space<semaphore_mem>>
      %dma_start3A_37 = arith.constant 0 : i32
      %dma_start3A_38 = arith.constant 0 : i32
      %dma_start3A_39 = tpu.memref_slice %arg3[%add3A, %dma_start3A_37, %dma_start3A_38] : memref<32x79x128xi32, #tpu.memory_space<hbm>> -> memref<1x79x128xi32, #tpu.memory_space<hbm>>
      %dma_start3A_40 = tpu.memref_squeeze %dma_start3A_39 : memref<1x79x128xi32, #tpu.memory_space<hbm>> -> memref<79x128xi32, #tpu.memory_space<hbm>>
      %dma_start3A_41 = arith.constant 0 : i32
      %dma_start3A_42 = arith.constant 0 : i32
      %dma_start3A_43 = tpu.memref_slice %arg3[%add3A, %dma_start3A_41, %dma_start3A_42] : memref<32x79x128xi32, #tpu.memory_space<hbm>> -> memref<1x79x128xi32, #tpu.memory_space<hbm>>
      %dma_start3A_44 = tpu.memref_squeeze %dma_start3A_43 : memref<1x79x128xi32, #tpu.memory_space<hbm>> -> memref<79x128xi32, #tpu.memory_space<hbm>>
      tpu.enqueue_dma source(%dma_start3A_44 : memref<79x128xi32, #tpu.memory_space<hbm>>) target(%arg7 : memref<79x128xi32, #tpu.memory_space<vmem>>) target_semaphore(%run_scoped3A : memref<!tpu.dma_semaphore, #tpu.memory_space<semaphore_mem>>)
      %dma_wait3A_45 = arith.constant 0 : i32
      %dma_wait3A_46 = arith.constant 0 : i32
      %dma_wait3A_47 = tpu.memref_slice %arg3[%add3A, %dma_wait3A_45, %dma_wait3A_46] : memref<32x79x128xi32, #tpu.memory_space<hbm>> -> memref<1x79x128xi32, #tpu.memory_space<hbm>>
      %dma_wait3A_48 = tpu.memref_squeeze %dma_wait3A_47 : memref<1x79x128xi32, #tpu.memory_space<hbm>> -> memref<79x128xi32, #tpu.memory_space<hbm>>
      %dma_wait3A_49 = arith.constant 0 : i32
      %dma_wait3A_50 = arith.constant 0 : i32
      %dma_wait3A_51 = tpu.memref_slice %arg3[%add3A, %dma_wait3A_49, %dma_wait3A_50] : memref<32x79x128xi32, #tpu.memory_space<hbm>> -> memref<1x79x128xi32, #tpu.memory_space<hbm>>
      %dma_wait3A_52 = tpu.memref_squeeze %dma_wait3A_51 : memref<1x79x128xi32, #tpu.memory_space<hbm>> -> memref<79x128xi32, #tpu.memory_space<hbm>>
      tpu.wait_dma2 semaphore(%run_scoped3A : memref<!tpu.dma_semaphore, #tpu.memory_space<semaphore_mem>>) src(%dma_wait3A_52 : memref<79x128xi32, #tpu.memory_space<hbm>>) dst(%arg7 : memref<79x128xi32, #tpu.memory_space<vmem>>)
      tpu.yield
    }) : () -> ()
    "tpu.region"() ({
      %run_scoped3A = tpu.sem_alloc : memref<!tpu.dma_semaphore, #tpu.memory_space<semaphore_mem>>
      %dma_start3A_37 = arith.constant 0 : i32
      %dma_start3A_38 = arith.constant 0 : i32
      %dma_start3A_39 = tpu.memref_slice %arg4[%add3A, %dma_start3A_37, %dma_start3A_38] : memref<32x79x128xi32, #tpu.memory_space<hbm>> -> memref<1x79x128xi32, #tpu.memory_space<hbm>>
      %dma_start3A_40 = tpu.memref_squeeze %dma_start3A_39 : memref<1x79x128xi32, #tpu.memory_space<hbm>> -> memref<79x128xi32, #tpu.memory_space<hbm>>
      %dma_start3A_41 = arith.constant 0 : i32
      %dma_start3A_42 = arith.constant 0 : i32
      %dma_start3A_43 = tpu.memref_slice %arg4[%add3A, %dma_start3A_41, %dma_start3A_42] : memref<32x79x128xi32, #tpu.memory_space<hbm>> -> memref<1x79x128xi32, #tpu.memory_space<hbm>>
      %dma_start3A_44 = tpu.memref_squeeze %dma_start3A_43 : memref<1x79x128xi32, #tpu.memory_space<hbm>> -> memref<79x128xi32, #tpu.memory_space<hbm>>
      tpu.enqueue_dma source(%dma_start3A_44 : memref<79x128xi32, #tpu.memory_space<hbm>>) target(%arg8 : memref<79x128xi32, #tpu.memory_space<vmem>>) target_semaphore(%run_scoped3A : memref<!tpu.dma_semaphore, #tpu.memory_space<semaphore_mem>>)
      %dma_wait3A_45 = arith.constant 0 : i32
      %dma_wait3A_46 = arith.constant 0 : i32
      %dma_wait3A_47 = tpu.memref_slice %arg4[%add3A, %dma_wait3A_45, %dma_wait3A_46] : memref<32x79x128xi32, #tpu.memory_space<hbm>> -> memref<1x79x128xi32, #tpu.memory_space<hbm>>
      %dma_wait3A_48 = tpu.memref_squeeze %dma_wait3A_47 : memref<1x79x128xi32, #tpu.memory_space<hbm>> -> memref<79x128xi32, #tpu.memory_space<hbm>>
      %dma_wait3A_49 = arith.constant 0 : i32
      %dma_wait3A_50 = arith.constant 0 : i32
      %dma_wait3A_51 = tpu.memref_slice %arg4[%add3A, %dma_wait3A_49, %dma_wait3A_50] : memref<32x79x128xi32, #tpu.memory_space<hbm>> -> memref<1x79x128xi32, #tpu.memory_space<hbm>>
      %dma_wait3A_52 = tpu.memref_squeeze %dma_wait3A_51 : memref<1x79x128xi32, #tpu.memory_space<hbm>> -> memref<79x128xi32, #tpu.memory_space<hbm>>
      tpu.wait_dma2 semaphore(%run_scoped3A : memref<!tpu.dma_semaphore, #tpu.memory_space<semaphore_mem>>) src(%dma_wait3A_52 : memref<79x128xi32, #tpu.memory_space<hbm>>) dst(%arg8 : memref<79x128xi32, #tpu.memory_space<vmem>>)
      tpu.yield
    }) : () -> ()
    %barrier3A = arith.constant 0 : index
    tpu.barrier barrier_id(%barrier3A)
    %dma_start3A = arith.constant 0 : i32
    %dma_start3A_3 = arith.constant 0 : i32
    %dma_start3A_4 = arith.constant 0 : i32
    %dma_start3A_5 = arith.constant 0 : i32
    %dma_start3A_6 = tpu.memref_slice %arg9[%dma_start3A_4, %dma_start3A_5] : memref<256x64xf32, #tpu.memory_space<vmem>> -> memref<128x64xf32, #tpu.memory_space<vmem>>
    %dma_start3A_7 = arith.constant 0 : i32
    %dma_start3A_8 = tpu.memref_slice %arg7[%dma_start3A, %dma_start3A_7] : memref<79x128xi32, #tpu.memory_space<vmem>> -> memref<1x128xi32, #tpu.memory_space<vmem>>
    %dma_start3A_9 = tpu.memref_squeeze %dma_start3A_8 : memref<1x128xi32, #tpu.memory_space<vmem>> -> memref<128xi32, #tpu.memory_space<vmem>>
    %dma_start3A_10 = arith.constant 0 : i32
    %dma_start3A_11 = arith.constant 0 : i32
    %dma_start3A_12 = tpu.memref_slice %arg2[%dma_start3A_10, %dma_start3A_11] : memref<10240x64xf32, #tpu.memory_space<hbm>> -> memref<10240x64xf32, #tpu.memory_space<hbm>>
    %dma_start3A_13 = tpu.memref_slice %arg11[%dma_start3A_3] : memref<2x!tpu.dma_semaphore, #tpu.memory_space<semaphore_mem>> -> memref<1x!tpu.dma_semaphore, #tpu.memory_space<semaphore_mem>>
    %dma_start3A_14 = tpu.memref_squeeze %dma_start3A_13 : memref<1x!tpu.dma_semaphore, #tpu.memory_space<semaphore_mem>> -> memref<!tpu.dma_semaphore, #tpu.memory_space<semaphore_mem>>
    tpu.enqueue_indirect_dma source(%dma_start3A_12 : memref<10240x64xf32, #tpu.memory_space<hbm>>) target(%dma_start3A_6 : memref<128x64xf32, #tpu.memory_space<vmem>>) offsets(%dma_start3A_9 : memref<128xi32, #tpu.memory_space<vmem>>) semaphore(%dma_start3A_14 : memref<!tpu.dma_semaphore, #tpu.memory_space<semaphore_mem>>)
    %scan3A = arith.constant 0 : i32
    %scan3A_15 = arith.constant 0 : i32
    %scan3A_16 = arith.constant 79 : i32
    %scan3A_17 = arith.addi %scan3A_15, %scan3A_16 : i32
    %scan3A_18 = arith.constant 1 : i32
    scf.for %scan3A_37 = %scan3A_15 to %scan3A_17 step %scan3A_18  : i32 {
      %rem3A = arith.constant 2 : i32
      %rem3A_38 = arith.remsi %scan3A_37, %rem3A : i32
      %add3A_39 = arith.constant 1 : i32
      %add3A_40 = arith.addi %scan3A_37, %add3A_39 : i32
      %rem3A_41 = arith.constant 2 : i32
      %rem3A_42 = arith.remsi %add3A_40, %rem3A_41 : i32
      %ge3A = arith.constant 1 : i32
      %ge3A_43 = arith.cmpi sge, %scan3A_37, %ge3A : i32
      %convert_element_type3A = arith.extui %ge3A_43 : i1 to i32
      %cond3A = arith.constant 0 : i32
      %cond3A_44 = arith.cmpi ne, %convert_element_type3A, %cond3A : i32
      scf.if %cond3A_44 {
        %dma_wait3A_75 = arith.constant 0 : i32
        %dma_wait3A_76 = arith.constant 0 : i32
        %dma_wait3A_77 = arith.constant 0 : i32
        %dma_wait3A_78 = tpu.memref_slice %arg9[%dma_wait3A_76, %dma_wait3A_77] : memref<256x64xf32, #tpu.memory_space<vmem>> -> memref<128x64xf32, #tpu.memory_space<vmem>>
        %dma_wait3A_79 = arith.constant 0 : i32
        %dma_wait3A_80 = tpu.memref_slice %arg8[%dma_wait3A_75, %dma_wait3A_79] : memref<79x128xi32, #tpu.memory_space<vmem>> -> memref<1x128xi32, #tpu.memory_space<vmem>>
        %dma_wait3A_81 = tpu.memref_squeeze %dma_wait3A_80 : memref<1x128xi32, #tpu.memory_space<vmem>> -> memref<128xi32, #tpu.memory_space<vmem>>
        %dma_wait3A_82 = arith.constant 0 : i32
        %dma_wait3A_83 = arith.constant 0 : i32
        %dma_wait3A_84 = tpu.memref_slice %arg10[%dma_wait3A_82, %dma_wait3A_83] : memref<10240x64xf32, #tpu.memory_space<vmem_shared>> -> memref<10240x64xf32, #tpu.memory_space<vmem_shared>>
        %dma_wait3A_85 = tpu.memref_slice %arg12[%rem3A_42] : memref<2x!tpu.dma_semaphore, #tpu.memory_space<semaphore_mem>> -> memref<1x!tpu.dma_semaphore, #tpu.memory_space<semaphore_mem>>
        %dma_wait3A_86 = tpu.memref_squeeze %dma_wait3A_85 : memref<1x!tpu.dma_semaphore, #tpu.memory_space<semaphore_mem>> -> memref<!tpu.dma_semaphore, #tpu.memory_space<semaphore_mem>>
        tpu.wait_indirect_dma semaphore(%dma_wait3A_86 : memref<!tpu.dma_semaphore, #tpu.memory_space<semaphore_mem>>) src(%dma_wait3A_78 : memref<128x64xf32, #tpu.memory_space<vmem>>) dst(%dma_wait3A_84 : memref<10240x64xf32, #tpu.memory_space<vmem_shared>>)
      } else {
      }
      %add3A_45 = arith.constant 1 : i32
      %add3A_46 = arith.addi %scan3A_37, %add3A_45 : i32
      %lt3A = arith.constant 79 : i32
      %lt3A_47 = arith.cmpi slt, %add3A_46, %lt3A : i32
      %convert_element_type3A_48 = arith.extui %lt3A_47 : i1 to i32
      %cond3A_49 = arith.constant 0 : i32
      %cond3A_50 = arith.cmpi ne, %convert_element_type3A_48, %cond3A_49 : i32
      scf.if %cond3A_50 {
        %add3A_75 = arith.constant 1 : i32
        %add3A_76 = arith.addi %scan3A_37, %add3A_75 : i32
        %mul3A_77 = arith.constant 128 : i32
        %mul3A_78 = arith.muli %rem3A_42, %mul3A_77 : i32
        %dma_start3A_79 = arith.constant 0 : i32
        %dma_start3A_80 = tpu.memref_slice %arg9[%mul3A_78, %dma_start3A_79] : memref<256x64xf32, #tpu.memory_space<vmem>> -> memref<128x64xf32, #tpu.memory_space<vmem>>
        %dma_start3A_81 = arith.constant 0 : i32
        %dma_start3A_82 = tpu.memref_slice %arg7[%add3A_76, %dma_start3A_81] : memref<79x128xi32, #tpu.memory_space<vmem>> -> memref<1x128xi32, #tpu.memory_space<vmem>>
        %dma_start3A_83 = tpu.memref_squeeze %dma_start3A_82 : memref<1x128xi32, #tpu.memory_space<vmem>> -> memref<128xi32, #tpu.memory_space<vmem>>
        %dma_start3A_84 = arith.constant 0 : i32
        %dma_start3A_85 = arith.constant 0 : i32
        %dma_start3A_86 = tpu.memref_slice %arg2[%dma_start3A_84, %dma_start3A_85] : memref<10240x64xf32, #tpu.memory_space<hbm>> -> memref<10240x64xf32, #tpu.memory_space<hbm>>
        %dma_start3A_87 = tpu.memref_slice %arg11[%rem3A_42] : memref<2x!tpu.dma_semaphore, #tpu.memory_space<semaphore_mem>> -> memref<1x!tpu.dma_semaphore, #tpu.memory_space<semaphore_mem>>
        %dma_start3A_88 = tpu.memref_squeeze %dma_start3A_87 : memref<1x!tpu.dma_semaphore, #tpu.memory_space<semaphore_mem>> -> memref<!tpu.dma_semaphore, #tpu.memory_space<semaphore_mem>>
        tpu.enqueue_indirect_dma source(%dma_start3A_86 : memref<10240x64xf32, #tpu.memory_space<hbm>>) target(%dma_start3A_80 : memref<128x64xf32, #tpu.memory_space<vmem>>) offsets(%dma_start3A_83 : memref<128xi32, #tpu.memory_space<vmem>>) semaphore(%dma_start3A_88 : memref<!tpu.dma_semaphore, #tpu.memory_space<semaphore_mem>>)
      } else {
      }
      %dma_wait3A_51 = arith.constant 0 : i32
      %dma_wait3A_52 = arith.constant 0 : i32
      %dma_wait3A_53 = arith.constant 0 : i32
      %dma_wait3A_54 = tpu.memref_slice %arg9[%dma_wait3A_52, %dma_wait3A_53] : memref<256x64xf32, #tpu.memory_space<vmem>> -> memref<128x64xf32, #tpu.memory_space<vmem>>
      %dma_wait3A_55 = arith.constant 0 : i32
      %dma_wait3A_56 = tpu.memref_slice %arg7[%dma_wait3A_51, %dma_wait3A_55] : memref<79x128xi32, #tpu.memory_space<vmem>> -> memref<1x128xi32, #tpu.memory_space<vmem>>
      %dma_wait3A_57 = tpu.memref_squeeze %dma_wait3A_56 : memref<1x128xi32, #tpu.memory_space<vmem>> -> memref<128xi32, #tpu.memory_space<vmem>>
      %dma_wait3A_58 = arith.constant 0 : i32
      %dma_wait3A_59 = arith.constant 0 : i32
      %dma_wait3A_60 = tpu.memref_slice %arg2[%dma_wait3A_58, %dma_wait3A_59] : memref<10240x64xf32, #tpu.memory_space<hbm>> -> memref<10240x64xf32, #tpu.memory_space<hbm>>
      %dma_wait3A_61 = tpu.memref_slice %arg11[%rem3A_38] : memref<2x!tpu.dma_semaphore, #tpu.memory_space<semaphore_mem>> -> memref<1x!tpu.dma_semaphore, #tpu.memory_space<semaphore_mem>>
      %dma_wait3A_62 = tpu.memref_squeeze %dma_wait3A_61 : memref<1x!tpu.dma_semaphore, #tpu.memory_space<semaphore_mem>> -> memref<!tpu.dma_semaphore, #tpu.memory_space<semaphore_mem>>
      tpu.wait_indirect_dma semaphore(%dma_wait3A_62 : memref<!tpu.dma_semaphore, #tpu.memory_space<semaphore_mem>>) src(%dma_wait3A_60 : memref<10240x64xf32, #tpu.memory_space<hbm>>) dst(%dma_wait3A_54 : memref<128x64xf32, #tpu.memory_space<vmem>>)
      %mul3A_63 = arith.constant 128 : i32
      %mul3A_64 = arith.muli %rem3A_38, %mul3A_63 : i32
      %dma_start3A_65 = arith.constant 0 : i32
      %dma_start3A_66 = tpu.memref_slice %arg9[%mul3A_64, %dma_start3A_65] : memref<256x64xf32, #tpu.memory_space<vmem>> -> memref<128x64xf32, #tpu.memory_space<vmem>>
      %dma_start3A_67 = arith.constant 0 : i32
      %dma_start3A_68 = tpu.memref_slice %arg8[%scan3A_37, %dma_start3A_67] : memref<79x128xi32, #tpu.memory_space<vmem>> -> memref<1x128xi32, #tpu.memory_space<vmem>>
      %dma_start3A_69 = tpu.memref_squeeze %dma_start3A_68 : memref<1x128xi32, #tpu.memory_space<vmem>> -> memref<128xi32, #tpu.memory_space<vmem>>
      %dma_start3A_70 = arith.constant 0 : i32
      %dma_start3A_71 = arith.constant 0 : i32
      %dma_start3A_72 = tpu.memref_slice %arg10[%dma_start3A_70, %dma_start3A_71] : memref<10240x64xf32, #tpu.memory_space<vmem_shared>> -> memref<10240x64xf32, #tpu.memory_space<vmem_shared>>
      %dma_start3A_73 = tpu.memref_slice %arg12[%rem3A_38] : memref<2x!tpu.dma_semaphore, #tpu.memory_space<semaphore_mem>> -> memref<1x!tpu.dma_semaphore, #tpu.memory_space<semaphore_mem>>
      %dma_start3A_74 = tpu.memref_squeeze %dma_start3A_73 : memref<1x!tpu.dma_semaphore, #tpu.memory_space<semaphore_mem>> -> memref<!tpu.dma_semaphore, #tpu.memory_space<semaphore_mem>>
      tpu.enqueue_indirect_dma source(%dma_start3A_66 : memref<128x64xf32, #tpu.memory_space<vmem>>) target(%dma_start3A_72 : memref<10240x64xf32, #tpu.memory_space<vmem_shared>>) offsets(%dma_start3A_69 : memref<128xi32, #tpu.memory_space<vmem>>) semaphore(%dma_start3A_74 : memref<!tpu.dma_semaphore, #tpu.memory_space<semaphore_mem>>) {add = true}
    }
    %scan3A_19 = arith.constant 79 : i32
    %dma_wait3A = arith.constant 0 : i32
    %dma_wait3A_20 = arith.constant 0 : i32
    %dma_wait3A_21 = arith.constant 0 : i32
    %dma_wait3A_22 = arith.constant 0 : i32
    %dma_wait3A_23 = tpu.memref_slice %arg9[%dma_wait3A_21, %dma_wait3A_22] : memref<256x64xf32, #tpu.memory_space<vmem>> -> memref<128x64xf32, #tpu.memory_space<vmem>>
    %dma_wait3A_24 = arith.constant 0 : i32
    %dma_wait3A_25 = tpu.memref_slice %arg8[%dma_wait3A, %dma_wait3A_24] : memref<79x128xi32, #tpu.memory_space<vmem>> -> memref<1x128xi32, #tpu.memory_space<vmem>>
    %dma_wait3A_26 = tpu.memref_squeeze %dma_wait3A_25 : memref<1x128xi32, #tpu.memory_space<vmem>> -> memref<128xi32, #tpu.memory_space<vmem>>
    %dma_wait3A_27 = arith.constant 0 : i32
    %dma_wait3A_28 = arith.constant 0 : i32
    %dma_wait3A_29 = tpu.memref_slice %arg10[%dma_wait3A_27, %dma_wait3A_28] : memref<10240x64xf32, #tpu.memory_space<vmem_shared>> -> memref<10240x64xf32, #tpu.memory_space<vmem_shared>>
    %dma_wait3A_30 = tpu.memref_slice %arg12[%dma_wait3A_20] : memref<2x!tpu.dma_semaphore, #tpu.memory_space<semaphore_mem>> -> memref<1x!tpu.dma_semaphore, #tpu.memory_space<semaphore_mem>>
    %dma_wait3A_31 = tpu.memref_squeeze %dma_wait3A_30 : memref<1x!tpu.dma_semaphore, #tpu.memory_space<semaphore_mem>> -> memref<!tpu.dma_semaphore, #tpu.memory_space<semaphore_mem>>
    tpu.wait_indirect_dma semaphore(%dma_wait3A_31 : memref<!tpu.dma_semaphore, #tpu.memory_space<semaphore_mem>>) src(%dma_wait3A_23 : memref<128x64xf32, #tpu.memory_space<vmem>>) dst(%dma_wait3A_29 : memref<10240x64xf32, #tpu.memory_space<vmem_shared>>)
    %barrier3A_32 = arith.constant 0 : index
    tpu.barrier barrier_id(%barrier3A_32)
    %mul3A_33 = arith.constant 640 : i32
    %mul3A_34 = arith.muli %arg1, %mul3A_33 : i32
    %mul3A_35 = arith.constant 640 : i32
    %mul3A_36 = arith.muli %arg1, %mul3A_35 : i32
    "tpu.region"() ({
      %run_scoped3A = tpu.sem_alloc : memref<!tpu.dma_semaphore, #tpu.memory_space<semaphore_mem>>
      %dma_start3A_37 = arith.constant 0 : i32
      %dma_start3A_38 = tpu.memref_slice %arg6[%arg0, %mul3A_36, %dma_start3A_37] : memref<2x10240x64xf32, #tpu.memory_space<hbm>> -> memref<1x640x64xf32, #tpu.memory_space<hbm>>
      %dma_start3A_39 = tpu.memref_squeeze %dma_start3A_38 : memref<1x640x64xf32, #tpu.memory_space<hbm>> -> memref<640x64xf32, #tpu.memory_space<hbm>>
      %dma_start3A_40 = arith.constant 0 : i32
      %dma_start3A_41 = tpu.memref_slice %arg10[%mul3A_34, %dma_start3A_40] : memref<10240x64xf32, #tpu.memory_space<vmem_shared>> -> memref<640x64xf32, #tpu.memory_space<vmem_shared>>
      tpu.enqueue_dma source(%dma_start3A_41 : memref<640x64xf32, #tpu.memory_space<vmem_shared>>) target(%dma_start3A_39 : memref<640x64xf32, #tpu.memory_space<hbm>>) target_semaphore(%run_scoped3A : memref<!tpu.dma_semaphore, #tpu.memory_space<semaphore_mem>>)
      %dma_wait3A_42 = arith.constant 0 : i32
      %dma_wait3A_43 = tpu.memref_slice %arg6[%arg0, %mul3A_36, %dma_wait3A_42] : memref<2x10240x64xf32, #tpu.memory_space<hbm>> -> memref<1x640x64xf32, #tpu.memory_space<hbm>>
      %dma_wait3A_44 = tpu.memref_squeeze %dma_wait3A_43 : memref<1x640x64xf32, #tpu.memory_space<hbm>> -> memref<640x64xf32, #tpu.memory_space<hbm>>
      %dma_wait3A_45 = arith.constant 0 : i32
      %dma_wait3A_46 = tpu.memref_slice %arg10[%mul3A_34, %dma_wait3A_45] : memref<10240x64xf32, #tpu.memory_space<vmem_shared>> -> memref<640x64xf32, #tpu.memory_space<vmem_shared>>
      tpu.wait_dma2 semaphore(%run_scoped3A : memref<!tpu.dma_semaphore, #tpu.memory_space<semaphore_mem>>) src(%dma_wait3A_46 : memref<640x64xf32, #tpu.memory_space<vmem_shared>>) dst(%dma_wait3A_44 : memref<640x64xf32, #tpu.memory_space<hbm>>)
      tpu.yield
    }) : () -> ()
    return
  }
}

#map = affine_map<(d0, d1) -> (0, 0)>
#map1 = affine_map<(d0, d1) -> (0, 0, 0)>
module attributes {stable_mosaic.version = 14 : i64} {
  func.func @k(%arg0: i32, %arg1: i32, %arg2: memref<10240x128xf32, #tpu.memory_space<hbm>>, %arg3: memref<32x157x64xi32, #tpu.memory_space<hbm>>, %arg4: memref<32x157x64xi32, #tpu.memory_space<hbm>>, %arg5: memref<640x128xf32, #tpu.memory_space<hbm>>, %arg6: memref<2x10240x128xf32, #tpu.memory_space<hbm>>, %arg7: memref<157x64xi32, #tpu.memory_space<vmem>>, %arg8: memref<157x64xi32, #tpu.memory_space<vmem>>, %arg9: memref<128x128xf32, #tpu.memory_space<vmem>>, %arg10: memref<10240x128xf32, #tpu.memory_space<vmem_shared>>, %arg11: memref<2x!tpu.dma_semaphore, #tpu.memory_space<semaphore_mem>>, %arg12: memref<2x!tpu.dma_semaphore, #tpu.memory_space<semaphore_mem>>) attributes {dimension_semantics = [#tpu.dimension_semantics<core_parallel>, #tpu.dimension_semantics<subcore_parallel>], iteration_bounds = array<i64: 2, 16>, scalar_prefetch = 0 : i64, scratch_operands = 6 : i64, tpu.core_type = #tpu.core_type<sc_vector_subcore>, window_params = [{transform_indices = #map}, {transform_indices = #map1}, {transform_indices = #map1}, {transform_indices = #map}, {transform_indices = #map1}]} {
    %mul3A = arith.constant 2 : i32
    %mul3A_0 = arith.muli %arg1, %mul3A : i32
    %add3A = arith.addi %mul3A_0, %arg0 : i32
    %mul3A_1 = arith.constant 640 : i32
    %mul3A_2 = arith.muli %arg1, %mul3A_1 : i32
    "tpu.region"() ({
      %run_scoped3A = tpu.sem_alloc : memref<!tpu.dma_semaphore, #tpu.memory_space<semaphore_mem>>
      %dma_start3A_37 = arith.constant 0 : i32
      %dma_start3A_38 = tpu.memref_slice %arg10[%mul3A_2, %dma_start3A_37] : memref<10240x128xf32, #tpu.memory_space<vmem_shared>> -> memref<640x128xf32, #tpu.memory_space<vmem_shared>>
      tpu.enqueue_dma source(%arg5 : memref<640x128xf32, #tpu.memory_space<hbm>>) target(%dma_start3A_38 : memref<640x128xf32, #tpu.memory_space<vmem_shared>>) target_semaphore(%run_scoped3A : memref<!tpu.dma_semaphore, #tpu.memory_space<semaphore_mem>>)
      %dma_wait3A_39 = arith.constant 0 : i32
      %dma_wait3A_40 = tpu.memref_slice %arg10[%mul3A_2, %dma_wait3A_39] : memref<10240x128xf32, #tpu.memory_space<vmem_shared>> -> memref<640x128xf32, #tpu.memory_space<vmem_shared>>
      tpu.wait_dma2 semaphore(%run_scoped3A : memref<!tpu.dma_semaphore, #tpu.memory_space<semaphore_mem>>) src(%arg5 : memref<640x128xf32, #tpu.memory_space<hbm>>) dst(%dma_wait3A_40 : memref<640x128xf32, #tpu.memory_space<vmem_shared>>)
      tpu.yield
    }) : () -> ()
    "tpu.region"() ({
      %run_scoped3A = tpu.sem_alloc : memref<!tpu.dma_semaphore, #tpu.memory_space<semaphore_mem>>
      %dma_start3A_37 = arith.constant 0 : i32
      %dma_start3A_38 = arith.constant 0 : i32
      %dma_start3A_39 = tpu.memref_slice %arg3[%add3A, %dma_start3A_37, %dma_start3A_38] : memref<32x157x64xi32, #tpu.memory_space<hbm>> -> memref<1x157x64xi32, #tpu.memory_space<hbm>>
      %dma_start3A_40 = tpu.memref_squeeze %dma_start3A_39 : memref<1x157x64xi32, #tpu.memory_space<hbm>> -> memref<157x64xi32, #tpu.memory_space<hbm>>
      %dma_start3A_41 = arith.constant 0 : i32
      %dma_start3A_42 = arith.constant 0 : i32
      %dma_start3A_43 = tpu.memref_slice %arg3[%add3A, %dma_start3A_41, %dma_start3A_42] : memref<32x157x64xi32, #tpu.memory_space<hbm>> -> memref<1x157x64xi32, #tpu.memory_space<hbm>>
      %dma_start3A_44 = tpu.memref_squeeze %dma_start3A_43 : memref<1x157x64xi32, #tpu.memory_space<hbm>> -> memref<157x64xi32, #tpu.memory_space<hbm>>
      tpu.enqueue_dma source(%dma_start3A_44 : memref<157x64xi32, #tpu.memory_space<hbm>>) target(%arg7 : memref<157x64xi32, #tpu.memory_space<vmem>>) target_semaphore(%run_scoped3A : memref<!tpu.dma_semaphore, #tpu.memory_space<semaphore_mem>>)
      %dma_wait3A_45 = arith.constant 0 : i32
      %dma_wait3A_46 = arith.constant 0 : i32
      %dma_wait3A_47 = tpu.memref_slice %arg3[%add3A, %dma_wait3A_45, %dma_wait3A_46] : memref<32x157x64xi32, #tpu.memory_space<hbm>> -> memref<1x157x64xi32, #tpu.memory_space<hbm>>
      %dma_wait3A_48 = tpu.memref_squeeze %dma_wait3A_47 : memref<1x157x64xi32, #tpu.memory_space<hbm>> -> memref<157x64xi32, #tpu.memory_space<hbm>>
      %dma_wait3A_49 = arith.constant 0 : i32
      %dma_wait3A_50 = arith.constant 0 : i32
      %dma_wait3A_51 = tpu.memref_slice %arg3[%add3A, %dma_wait3A_49, %dma_wait3A_50] : memref<32x157x64xi32, #tpu.memory_space<hbm>> -> memref<1x157x64xi32, #tpu.memory_space<hbm>>
      %dma_wait3A_52 = tpu.memref_squeeze %dma_wait3A_51 : memref<1x157x64xi32, #tpu.memory_space<hbm>> -> memref<157x64xi32, #tpu.memory_space<hbm>>
      tpu.wait_dma2 semaphore(%run_scoped3A : memref<!tpu.dma_semaphore, #tpu.memory_space<semaphore_mem>>) src(%dma_wait3A_52 : memref<157x64xi32, #tpu.memory_space<hbm>>) dst(%arg7 : memref<157x64xi32, #tpu.memory_space<vmem>>)
      tpu.yield
    }) : () -> ()
    "tpu.region"() ({
      %run_scoped3A = tpu.sem_alloc : memref<!tpu.dma_semaphore, #tpu.memory_space<semaphore_mem>>
      %dma_start3A_37 = arith.constant 0 : i32
      %dma_start3A_38 = arith.constant 0 : i32
      %dma_start3A_39 = tpu.memref_slice %arg4[%add3A, %dma_start3A_37, %dma_start3A_38] : memref<32x157x64xi32, #tpu.memory_space<hbm>> -> memref<1x157x64xi32, #tpu.memory_space<hbm>>
      %dma_start3A_40 = tpu.memref_squeeze %dma_start3A_39 : memref<1x157x64xi32, #tpu.memory_space<hbm>> -> memref<157x64xi32, #tpu.memory_space<hbm>>
      %dma_start3A_41 = arith.constant 0 : i32
      %dma_start3A_42 = arith.constant 0 : i32
      %dma_start3A_43 = tpu.memref_slice %arg4[%add3A, %dma_start3A_41, %dma_start3A_42] : memref<32x157x64xi32, #tpu.memory_space<hbm>> -> memref<1x157x64xi32, #tpu.memory_space<hbm>>
      %dma_start3A_44 = tpu.memref_squeeze %dma_start3A_43 : memref<1x157x64xi32, #tpu.memory_space<hbm>> -> memref<157x64xi32, #tpu.memory_space<hbm>>
      tpu.enqueue_dma source(%dma_start3A_44 : memref<157x64xi32, #tpu.memory_space<hbm>>) target(%arg8 : memref<157x64xi32, #tpu.memory_space<vmem>>) target_semaphore(%run_scoped3A : memref<!tpu.dma_semaphore, #tpu.memory_space<semaphore_mem>>)
      %dma_wait3A_45 = arith.constant 0 : i32
      %dma_wait3A_46 = arith.constant 0 : i32
      %dma_wait3A_47 = tpu.memref_slice %arg4[%add3A, %dma_wait3A_45, %dma_wait3A_46] : memref<32x157x64xi32, #tpu.memory_space<hbm>> -> memref<1x157x64xi32, #tpu.memory_space<hbm>>
      %dma_wait3A_48 = tpu.memref_squeeze %dma_wait3A_47 : memref<1x157x64xi32, #tpu.memory_space<hbm>> -> memref<157x64xi32, #tpu.memory_space<hbm>>
      %dma_wait3A_49 = arith.constant 0 : i32
      %dma_wait3A_50 = arith.constant 0 : i32
      %dma_wait3A_51 = tpu.memref_slice %arg4[%add3A, %dma_wait3A_49, %dma_wait3A_50] : memref<32x157x64xi32, #tpu.memory_space<hbm>> -> memref<1x157x64xi32, #tpu.memory_space<hbm>>
      %dma_wait3A_52 = tpu.memref_squeeze %dma_wait3A_51 : memref<1x157x64xi32, #tpu.memory_space<hbm>> -> memref<157x64xi32, #tpu.memory_space<hbm>>
      tpu.wait_dma2 semaphore(%run_scoped3A : memref<!tpu.dma_semaphore, #tpu.memory_space<semaphore_mem>>) src(%dma_wait3A_52 : memref<157x64xi32, #tpu.memory_space<hbm>>) dst(%arg8 : memref<157x64xi32, #tpu.memory_space<vmem>>)
      tpu.yield
    }) : () -> ()
    %barrier3A = arith.constant 0 : index
    tpu.barrier barrier_id(%barrier3A)
    %dma_start3A = arith.constant 0 : i32
    %dma_start3A_3 = arith.constant 0 : i32
    %dma_start3A_4 = arith.constant 0 : i32
    %dma_start3A_5 = arith.constant 0 : i32
    %dma_start3A_6 = tpu.memref_slice %arg9[%dma_start3A_4, %dma_start3A_5] : memref<128x128xf32, #tpu.memory_space<vmem>> -> memref<64x128xf32, #tpu.memory_space<vmem>>
    %dma_start3A_7 = arith.constant 0 : i32
    %dma_start3A_8 = tpu.memref_slice %arg7[%dma_start3A, %dma_start3A_7] : memref<157x64xi32, #tpu.memory_space<vmem>> -> memref<1x64xi32, #tpu.memory_space<vmem>>
    %dma_start3A_9 = tpu.memref_squeeze %dma_start3A_8 : memref<1x64xi32, #tpu.memory_space<vmem>> -> memref<64xi32, #tpu.memory_space<vmem>>
    %dma_start3A_10 = arith.constant 0 : i32
    %dma_start3A_11 = arith.constant 0 : i32
    %dma_start3A_12 = tpu.memref_slice %arg2[%dma_start3A_10, %dma_start3A_11] : memref<10240x128xf32, #tpu.memory_space<hbm>> -> memref<10240x128xf32, #tpu.memory_space<hbm>>
    %dma_start3A_13 = tpu.memref_slice %arg11[%dma_start3A_3] : memref<2x!tpu.dma_semaphore, #tpu.memory_space<semaphore_mem>> -> memref<1x!tpu.dma_semaphore, #tpu.memory_space<semaphore_mem>>
    %dma_start3A_14 = tpu.memref_squeeze %dma_start3A_13 : memref<1x!tpu.dma_semaphore, #tpu.memory_space<semaphore_mem>> -> memref<!tpu.dma_semaphore, #tpu.memory_space<semaphore_mem>>
    tpu.enqueue_indirect_dma source(%dma_start3A_12 : memref<10240x128xf32, #tpu.memory_space<hbm>>) target(%dma_start3A_6 : memref<64x128xf32, #tpu.memory_space<vmem>>) offsets(%dma_start3A_9 : memref<64xi32, #tpu.memory_space<vmem>>) semaphore(%dma_start3A_14 : memref<!tpu.dma_semaphore, #tpu.memory_space<semaphore_mem>>)
    %scan3A = arith.constant 0 : i32
    %scan3A_15 = arith.constant 0 : i32
    %scan3A_16 = arith.constant 157 : i32
    %scan3A_17 = arith.addi %scan3A_15, %scan3A_16 : i32
    %scan3A_18 = arith.constant 1 : i32
    scf.for %scan3A_37 = %scan3A_15 to %scan3A_17 step %scan3A_18  : i32 {
      %rem3A = arith.constant 2 : i32
      %rem3A_38 = arith.remsi %scan3A_37, %rem3A : i32
      %add3A_39 = arith.constant 1 : i32
      %add3A_40 = arith.addi %scan3A_37, %add3A_39 : i32
      %rem3A_41 = arith.constant 2 : i32
      %rem3A_42 = arith.remsi %add3A_40, %rem3A_41 : i32
      %ge3A = arith.constant 1 : i32
      %ge3A_43 = arith.cmpi sge, %scan3A_37, %ge3A : i32
      %convert_element_type3A = arith.extui %ge3A_43 : i1 to i32
      %cond3A = arith.constant 0 : i32
      %cond3A_44 = arith.cmpi ne, %convert_element_type3A, %cond3A : i32
      scf.if %cond3A_44 {
        %dma_wait3A_75 = arith.constant 0 : i32
        %dma_wait3A_76 = arith.constant 0 : i32
        %dma_wait3A_77 = arith.constant 0 : i32
        %dma_wait3A_78 = tpu.memref_slice %arg9[%dma_wait3A_76, %dma_wait3A_77] : memref<128x128xf32, #tpu.memory_space<vmem>> -> memref<64x128xf32, #tpu.memory_space<vmem>>
        %dma_wait3A_79 = arith.constant 0 : i32
        %dma_wait3A_80 = tpu.memref_slice %arg8[%dma_wait3A_75, %dma_wait3A_79] : memref<157x64xi32, #tpu.memory_space<vmem>> -> memref<1x64xi32, #tpu.memory_space<vmem>>
        %dma_wait3A_81 = tpu.memref_squeeze %dma_wait3A_80 : memref<1x64xi32, #tpu.memory_space<vmem>> -> memref<64xi32, #tpu.memory_space<vmem>>
        %dma_wait3A_82 = arith.constant 0 : i32
        %dma_wait3A_83 = arith.constant 0 : i32
        %dma_wait3A_84 = tpu.memref_slice %arg10[%dma_wait3A_82, %dma_wait3A_83] : memref<10240x128xf32, #tpu.memory_space<vmem_shared>> -> memref<10240x128xf32, #tpu.memory_space<vmem_shared>>
        %dma_wait3A_85 = tpu.memref_slice %arg12[%rem3A_42] : memref<2x!tpu.dma_semaphore, #tpu.memory_space<semaphore_mem>> -> memref<1x!tpu.dma_semaphore, #tpu.memory_space<semaphore_mem>>
        %dma_wait3A_86 = tpu.memref_squeeze %dma_wait3A_85 : memref<1x!tpu.dma_semaphore, #tpu.memory_space<semaphore_mem>> -> memref<!tpu.dma_semaphore, #tpu.memory_space<semaphore_mem>>
        tpu.wait_indirect_dma semaphore(%dma_wait3A_86 : memref<!tpu.dma_semaphore, #tpu.memory_space<semaphore_mem>>) src(%dma_wait3A_78 : memref<64x128xf32, #tpu.memory_space<vmem>>) dst(%dma_wait3A_84 : memref<10240x128xf32, #tpu.memory_space<vmem_shared>>)
      } else {
      }
      %add3A_45 = arith.constant 1 : i32
      %add3A_46 = arith.addi %scan3A_37, %add3A_45 : i32
      %lt3A = arith.constant 157 : i32
      %lt3A_47 = arith.cmpi slt, %add3A_46, %lt3A : i32
      %convert_element_type3A_48 = arith.extui %lt3A_47 : i1 to i32
      %cond3A_49 = arith.constant 0 : i32
      %cond3A_50 = arith.cmpi ne, %convert_element_type3A_48, %cond3A_49 : i32
      scf.if %cond3A_50 {
        %add3A_75 = arith.constant 1 : i32
        %add3A_76 = arith.addi %scan3A_37, %add3A_75 : i32
        %mul3A_77 = arith.constant 64 : i32
        %mul3A_78 = arith.muli %rem3A_42, %mul3A_77 : i32
        %dma_start3A_79 = arith.constant 0 : i32
        %dma_start3A_80 = tpu.memref_slice %arg9[%mul3A_78, %dma_start3A_79] : memref<128x128xf32, #tpu.memory_space<vmem>> -> memref<64x128xf32, #tpu.memory_space<vmem>>
        %dma_start3A_81 = arith.constant 0 : i32
        %dma_start3A_82 = tpu.memref_slice %arg7[%add3A_76, %dma_start3A_81] : memref<157x64xi32, #tpu.memory_space<vmem>> -> memref<1x64xi32, #tpu.memory_space<vmem>>
        %dma_start3A_83 = tpu.memref_squeeze %dma_start3A_82 : memref<1x64xi32, #tpu.memory_space<vmem>> -> memref<64xi32, #tpu.memory_space<vmem>>
        %dma_start3A_84 = arith.constant 0 : i32
        %dma_start3A_85 = arith.constant 0 : i32
        %dma_start3A_86 = tpu.memref_slice %arg2[%dma_start3A_84, %dma_start3A_85] : memref<10240x128xf32, #tpu.memory_space<hbm>> -> memref<10240x128xf32, #tpu.memory_space<hbm>>
        %dma_start3A_87 = tpu.memref_slice %arg11[%rem3A_42] : memref<2x!tpu.dma_semaphore, #tpu.memory_space<semaphore_mem>> -> memref<1x!tpu.dma_semaphore, #tpu.memory_space<semaphore_mem>>
        %dma_start3A_88 = tpu.memref_squeeze %dma_start3A_87 : memref<1x!tpu.dma_semaphore, #tpu.memory_space<semaphore_mem>> -> memref<!tpu.dma_semaphore, #tpu.memory_space<semaphore_mem>>
        tpu.enqueue_indirect_dma source(%dma_start3A_86 : memref<10240x128xf32, #tpu.memory_space<hbm>>) target(%dma_start3A_80 : memref<64x128xf32, #tpu.memory_space<vmem>>) offsets(%dma_start3A_83 : memref<64xi32, #tpu.memory_space<vmem>>) semaphore(%dma_start3A_88 : memref<!tpu.dma_semaphore, #tpu.memory_space<semaphore_mem>>)
      } else {
      }
      %dma_wait3A_51 = arith.constant 0 : i32
      %dma_wait3A_52 = arith.constant 0 : i32
      %dma_wait3A_53 = arith.constant 0 : i32
      %dma_wait3A_54 = tpu.memref_slice %arg9[%dma_wait3A_52, %dma_wait3A_53] : memref<128x128xf32, #tpu.memory_space<vmem>> -> memref<64x128xf32, #tpu.memory_space<vmem>>
      %dma_wait3A_55 = arith.constant 0 : i32
      %dma_wait3A_56 = tpu.memref_slice %arg7[%dma_wait3A_51, %dma_wait3A_55] : memref<157x64xi32, #tpu.memory_space<vmem>> -> memref<1x64xi32, #tpu.memory_space<vmem>>
      %dma_wait3A_57 = tpu.memref_squeeze %dma_wait3A_56 : memref<1x64xi32, #tpu.memory_space<vmem>> -> memref<64xi32, #tpu.memory_space<vmem>>
      %dma_wait3A_58 = arith.constant 0 : i32
      %dma_wait3A_59 = arith.constant 0 : i32
      %dma_wait3A_60 = tpu.memref_slice %arg2[%dma_wait3A_58, %dma_wait3A_59] : memref<10240x128xf32, #tpu.memory_space<hbm>> -> memref<10240x128xf32, #tpu.memory_space<hbm>>
      %dma_wait3A_61 = tpu.memref_slice %arg11[%rem3A_38] : memref<2x!tpu.dma_semaphore, #tpu.memory_space<semaphore_mem>> -> memref<1x!tpu.dma_semaphore, #tpu.memory_space<semaphore_mem>>
      %dma_wait3A_62 = tpu.memref_squeeze %dma_wait3A_61 : memref<1x!tpu.dma_semaphore, #tpu.memory_space<semaphore_mem>> -> memref<!tpu.dma_semaphore, #tpu.memory_space<semaphore_mem>>
      tpu.wait_indirect_dma semaphore(%dma_wait3A_62 : memref<!tpu.dma_semaphore, #tpu.memory_space<semaphore_mem>>) src(%dma_wait3A_60 : memref<10240x128xf32, #tpu.memory_space<hbm>>) dst(%dma_wait3A_54 : memref<64x128xf32, #tpu.memory_space<vmem>>)
      %mul3A_63 = arith.constant 64 : i32
      %mul3A_64 = arith.muli %rem3A_38, %mul3A_63 : i32
      %dma_start3A_65 = arith.constant 0 : i32
      %dma_start3A_66 = tpu.memref_slice %arg9[%mul3A_64, %dma_start3A_65] : memref<128x128xf32, #tpu.memory_space<vmem>> -> memref<64x128xf32, #tpu.memory_space<vmem>>
      %dma_start3A_67 = arith.constant 0 : i32
      %dma_start3A_68 = tpu.memref_slice %arg8[%scan3A_37, %dma_start3A_67] : memref<157x64xi32, #tpu.memory_space<vmem>> -> memref<1x64xi32, #tpu.memory_space<vmem>>
      %dma_start3A_69 = tpu.memref_squeeze %dma_start3A_68 : memref<1x64xi32, #tpu.memory_space<vmem>> -> memref<64xi32, #tpu.memory_space<vmem>>
      %dma_start3A_70 = arith.constant 0 : i32
      %dma_start3A_71 = arith.constant 0 : i32
      %dma_start3A_72 = tpu.memref_slice %arg10[%dma_start3A_70, %dma_start3A_71] : memref<10240x128xf32, #tpu.memory_space<vmem_shared>> -> memref<10240x128xf32, #tpu.memory_space<vmem_shared>>
      %dma_start3A_73 = tpu.memref_slice %arg12[%rem3A_38] : memref<2x!tpu.dma_semaphore, #tpu.memory_space<semaphore_mem>> -> memref<1x!tpu.dma_semaphore, #tpu.memory_space<semaphore_mem>>
      %dma_start3A_74 = tpu.memref_squeeze %dma_start3A_73 : memref<1x!tpu.dma_semaphore, #tpu.memory_space<semaphore_mem>> -> memref<!tpu.dma_semaphore, #tpu.memory_space<semaphore_mem>>
      tpu.enqueue_indirect_dma source(%dma_start3A_66 : memref<64x128xf32, #tpu.memory_space<vmem>>) target(%dma_start3A_72 : memref<10240x128xf32, #tpu.memory_space<vmem_shared>>) offsets(%dma_start3A_69 : memref<64xi32, #tpu.memory_space<vmem>>) semaphore(%dma_start3A_74 : memref<!tpu.dma_semaphore, #tpu.memory_space<semaphore_mem>>) {add = true}
    }
    %scan3A_19 = arith.constant 157 : i32
    %dma_wait3A = arith.constant 0 : i32
    %dma_wait3A_20 = arith.constant 0 : i32
    %dma_wait3A_21 = arith.constant 0 : i32
    %dma_wait3A_22 = arith.constant 0 : i32
    %dma_wait3A_23 = tpu.memref_slice %arg9[%dma_wait3A_21, %dma_wait3A_22] : memref<128x128xf32, #tpu.memory_space<vmem>> -> memref<64x128xf32, #tpu.memory_space<vmem>>
    %dma_wait3A_24 = arith.constant 0 : i32
    %dma_wait3A_25 = tpu.memref_slice %arg8[%dma_wait3A, %dma_wait3A_24] : memref<157x64xi32, #tpu.memory_space<vmem>> -> memref<1x64xi32, #tpu.memory_space<vmem>>
    %dma_wait3A_26 = tpu.memref_squeeze %dma_wait3A_25 : memref<1x64xi32, #tpu.memory_space<vmem>> -> memref<64xi32, #tpu.memory_space<vmem>>
    %dma_wait3A_27 = arith.constant 0 : i32
    %dma_wait3A_28 = arith.constant 0 : i32
    %dma_wait3A_29 = tpu.memref_slice %arg10[%dma_wait3A_27, %dma_wait3A_28] : memref<10240x128xf32, #tpu.memory_space<vmem_shared>> -> memref<10240x128xf32, #tpu.memory_space<vmem_shared>>
    %dma_wait3A_30 = tpu.memref_slice %arg12[%dma_wait3A_20] : memref<2x!tpu.dma_semaphore, #tpu.memory_space<semaphore_mem>> -> memref<1x!tpu.dma_semaphore, #tpu.memory_space<semaphore_mem>>
    %dma_wait3A_31 = tpu.memref_squeeze %dma_wait3A_30 : memref<1x!tpu.dma_semaphore, #tpu.memory_space<semaphore_mem>> -> memref<!tpu.dma_semaphore, #tpu.memory_space<semaphore_mem>>
    tpu.wait_indirect_dma semaphore(%dma_wait3A_31 : memref<!tpu.dma_semaphore, #tpu.memory_space<semaphore_mem>>) src(%dma_wait3A_23 : memref<64x128xf32, #tpu.memory_space<vmem>>) dst(%dma_wait3A_29 : memref<10240x128xf32, #tpu.memory_space<vmem_shared>>)
    %barrier3A_32 = arith.constant 0 : index
    tpu.barrier barrier_id(%barrier3A_32)
    %mul3A_33 = arith.constant 640 : i32
    %mul3A_34 = arith.muli %arg1, %mul3A_33 : i32
    %mul3A_35 = arith.constant 640 : i32
    %mul3A_36 = arith.muli %arg1, %mul3A_35 : i32
    "tpu.region"() ({
      %run_scoped3A = tpu.sem_alloc : memref<!tpu.dma_semaphore, #tpu.memory_space<semaphore_mem>>
      %dma_start3A_37 = arith.constant 0 : i32
      %dma_start3A_38 = tpu.memref_slice %arg6[%arg0, %mul3A_36, %dma_start3A_37] : memref<2x10240x128xf32, #tpu.memory_space<hbm>> -> memref<1x640x128xf32, #tpu.memory_space<hbm>>
      %dma_start3A_39 = tpu.memref_squeeze %dma_start3A_38 : memref<1x640x128xf32, #tpu.memory_space<hbm>> -> memref<640x128xf32, #tpu.memory_space<hbm>>
      %dma_start3A_40 = arith.constant 0 : i32
      %dma_start3A_41 = tpu.memref_slice %arg10[%mul3A_34, %dma_start3A_40] : memref<10240x128xf32, #tpu.memory_space<vmem_shared>> -> memref<640x128xf32, #tpu.memory_space<vmem_shared>>
      tpu.enqueue_dma source(%dma_start3A_41 : memref<640x128xf32, #tpu.memory_space<vmem_shared>>) target(%dma_start3A_39 : memref<640x128xf32, #tpu.memory_space<hbm>>) target_semaphore(%run_scoped3A : memref<!tpu.dma_semaphore, #tpu.memory_space<semaphore_mem>>)
      %dma_wait3A_42 = arith.constant 0 : i32
      %dma_wait3A_43 = tpu.memref_slice %arg6[%arg0, %mul3A_36, %dma_wait3A_42] : memref<2x10240x128xf32, #tpu.memory_space<hbm>> -> memref<1x640x128xf32, #tpu.memory_space<hbm>>
      %dma_wait3A_44 = tpu.memref_squeeze %dma_wait3A_43 : memref<1x640x128xf32, #tpu.memory_space<hbm>> -> memref<640x128xf32, #tpu.memory_space<hbm>>
      %dma_wait3A_45 = arith.constant 0 : i32
      %dma_wait3A_46 = tpu.memref_slice %arg10[%mul3A_34, %dma_wait3A_45] : memref<10240x128xf32, #tpu.memory_space<vmem_shared>> -> memref<640x128xf32, #tpu.memory_space<vmem_shared>>
      tpu.wait_dma2 semaphore(%run_scoped3A : memref<!tpu.dma_semaphore, #tpu.memory_space<semaphore_mem>>) src(%dma_wait3A_46 : memref<640x128xf32, #tpu.memory_space<vmem_shared>>) dst(%dma_wait3A_44 : memref<640x128xf32, #tpu.memory_space<hbm>>)
      tpu.yield
    }) : () -> ()
    return
  }
}

module attributes {stable_mosaic.version = 14 : i64} {
  func.func @body(%arg0: i32, %arg1: memref<1024x128xf32, #tpu.memory_space<vmem>>, %arg2: memref<128x128xf32, #tpu.memory_space<vmem>>, %arg3: memref<1024x128xf32, #tpu.memory_space<vmem>>) attributes {dimension_semantics = [#tpu.dimension_semantics<arbitrary>], iteration_bounds = array<i64: 10>, scalar_prefetch = 0 : i64, scratch_operands = 0 : i64, tpu.core_type = #tpu.core_type<tc>, window_params = [{transform_indices = @transform_0, window_bounds = array<i64: 1024, 128>}, {pipeline_mode = #tpu.pipeline_mode<synchronous>, transform_indices = @transform_1, window_bounds = array<i64: 128, 128>}, {transform_indices = @transform_2, window_bounds = array<i64: 1024, 128>}]} {
    %get3A = arith.constant 0 : index
    %get3A_0 = arith.constant 0 : index
    %get3A_1 = vector.load %arg1[%get3A, %get3A_0] : memref<1024x128xf32, #tpu.memory_space<vmem>>, vector<1024x128xf32>
    %get3A_2 = arith.constant 0 : index
    %get3A_3 = arith.constant 0 : index
    %get3A_4 = vector.load %arg2[%get3A_2, %get3A_3] : memref<128x128xf32, #tpu.memory_space<vmem>>, vector<128x128xf32>
    %dot_general3A = arith.constant dense<0.000000e+00> : vector<1024x128xf32>
    %dot_general3A_5 = tpu.matmul %get3A_1, %get3A_4, %dot_general3A {dimension_numbers = #tpu.dot_dimension_numbers<[1], [0], [0], [1], [0, 0, 1, 1], [], []>, transpose_lhs_hint = false} : vector<1024x128xf32>, vector<128x128xf32>, vector<1024x128xf32> -> vector<1024x128xf32>
    %swap3A = arith.constant 0 : index
    %swap3A_6 = arith.constant 0 : index
    %swap3A_7 = vector.load %arg3[%swap3A, %swap3A_6] : memref<1024x128xf32, #tpu.memory_space<vmem>>, vector<1024x128xf32>
    tpu.vector_store %arg3[%swap3A, %swap3A_6], %dot_general3A_5 {strides = array<i32>} : memref<1024x128xf32, #tpu.memory_space<vmem>>, vector<1024x128xf32>,
    return
  }
  func.func @transform_0(%arg0: i32) -> (i32, i32) {
    %c0_i32 = arith.constant 0 : i32
    %c0_i32_0 = arith.constant 0 : i32
    return %arg0, %c0_i32 : i32, i32
  }
  func.func @transform_1(%arg0: i32) -> (i32, i32) {
    %c0_i32 = arith.constant 0 : i32
    %c0_i32_0 = arith.constant 0 : i32
    %c0_i32_1 = arith.constant 0 : i32
    return %c0_i32, %c0_i32_0 : i32, i32
  }
  func.func @transform_2(%arg0: i32) -> (i32, i32) {
    %c0_i32 = arith.constant 0 : i32
    %c0_i32_0 = arith.constant 0 : i32
    return %arg0, %c0_i32 : i32, i32
  }
}

module attributes {stable_mosaic.version = 14 : i64} {
  func.func @body(%arg0: i32, %arg1: memref<2x1024x16xf32, #tpu.memory_space<vmem>>, %arg2: memref<1024x128xf32, #tpu.memory_space<vmem>>, %arg3: memref<1024x128xf32, #tpu.memory_space<vmem>>, %arg4: memref<1024x1xf32, #tpu.memory_space<vmem>>) attributes {dimension_semantics = [#tpu.dimension_semantics<arbitrary>], iteration_bounds = array<i64: 10>, scalar_prefetch = 0 : i64, scratch_operands = 0 : i64, tpu.core_type = #tpu.core_type<tc>, window_params = [{transform_indices = @transform_0, window_bounds = array<i64: 2, 1024, 16>}, {transform_indices = @transform_1, window_bounds = array<i64: 1024, 128>}, {transform_indices = @transform_2, window_bounds = array<i64: 1024, 128>}, {transform_indices = @transform_3, window_bounds = array<i64: 1024, 1>}]} {
    %get3A = arith.constant 0 : index
    %get3A_0 = arith.constant 0 : index
    %get3A_1 = arith.constant 0 : index
    %get3A_2 = vector.load %arg1[%get3A, %get3A_0, %get3A_1] : memref<2x1024x16xf32, #tpu.memory_space<vmem>>, vector<1x1024x1xf32>
    %get3A_3 = vector.shape_cast %get3A_2 : vector<1x1024x1xf32> to vector<1024x1xf32>
    %get3A_4 = arith.constant 1 : index
    %get3A_5 = arith.constant 0 : index
    %get3A_6 = arith.constant 0 : index
    %get3A_7 = vector.load %arg1[%get3A_4, %get3A_5, %get3A_6] : memref<2x1024x16xf32, #tpu.memory_space<vmem>>, vector<1x1024x1xf32>
    %get3A_8 = vector.shape_cast %get3A_7 : vector<1x1024x1xf32> to vector<1024x1xf32>
    %add3A = arith.addf %get3A_3, %get3A_8 : vector<1024x1xf32>
    %add3A_9 = arith.constant 1.000000e+00 : f32
    %add3A_10 = vector.broadcast %add3A_9 : f32 to vector<1024x1xf32>
    %add3A_11 = arith.addf %add3A, %add3A_10 : vector<1024x1xf32>
    %rsqrt3A = math.rsqrt %add3A_11 : vector<1024x1xf32>
    %swap3A = arith.constant 0 : index
    %swap3A_12 = arith.constant 0 : index
    %swap3A_13 = vector.load %arg4[%swap3A, %swap3A_12] : memref<1024x1xf32, #tpu.memory_space<vmem>>, vector<1024x1xf32>
    tpu.vector_store %arg4[%swap3A, %swap3A_12], %rsqrt3A {strides = array<i32>} : memref<1024x1xf32, #tpu.memory_space<vmem>>, vector<1024x1xf32>,
    %get3A_14 = arith.constant 0 : index
    %get3A_15 = arith.constant 0 : index
    %get3A_16 = vector.load %arg2[%get3A_14, %get3A_15] : memref<1024x128xf32, #tpu.memory_space<vmem>>, vector<1024x128xf32>
    %mul3A = vector.broadcast %rsqrt3A : vector<1024x1xf32> to vector<1024x128xf32>
    %mul3A_17 = arith.mulf %get3A_16, %mul3A : vector<1024x128xf32>
    %swap3A_18 = arith.constant 0 : index
    %swap3A_19 = arith.constant 0 : index
    %swap3A_20 = vector.load %arg3[%swap3A_18, %swap3A_19] : memref<1024x128xf32, #tpu.memory_space<vmem>>, vector<1024x128xf32>
    tpu.vector_store %arg3[%swap3A_18, %swap3A_19], %mul3A_17 {strides = array<i32>} : memref<1024x128xf32, #tpu.memory_space<vmem>>, vector<1024x128xf32>,
    return
  }
  func.func @transform_0(%arg0: i32) -> (i32, i32, i32) {
    %c0_i32 = arith.constant 0 : i32
    %c0_i32_0 = arith.constant 0 : i32
    %c0_i32_1 = arith.constant 0 : i32
    return %c0_i32, %arg0, %c0_i32_0 : i32, i32, i32
  }
  func.func @transform_1(%arg0: i32) -> (i32, i32) {
    %c0_i32 = arith.constant 0 : i32
    %c0_i32_0 = arith.constant 0 : i32
    return %arg0, %c0_i32 : i32, i32
  }
  func.func @transform_2(%arg0: i32) -> (i32, i32) {
    %c0_i32 = arith.constant 0 : i32
    %c0_i32_0 = arith.constant 0 : i32
    return %arg0, %c0_i32 : i32, i32
  }
  func.func @transform_3(%arg0: i32) -> (i32, i32) {
    %c0_i32 = arith.constant 0 : i32
    %c0_i32_0 = arith.constant 0 : i32
    return %arg0, %c0_i32 : i32, i32
  }
}

module attributes {stable_mosaic.version = 14 : i64} {
  func.func @body(%arg0: i32, %arg1: memref<2x1024x128xf32, #tpu.memory_space<vmem>>, %arg2: memref<1024x128xf32, #tpu.memory_space<vmem>>, %arg3: memref<1024x1xf32, #tpu.memory_space<vmem>>, %arg4: memref<1x128xf32, #tpu.memory_space<vmem>>, %arg5: memref<128x64xf32, #tpu.memory_space<vmem>>, %arg6: memref<1024x64xf32, #tpu.memory_space<vmem>>) attributes {dimension_semantics = [#tpu.dimension_semantics<arbitrary>], iteration_bounds = array<i64: 10>, scalar_prefetch = 0 : i64, scratch_operands = 0 : i64, tpu.core_type = #tpu.core_type<tc>, window_params = [{transform_indices = @transform_0, window_bounds = array<i64: 2, 1024, 128>}, {transform_indices = @transform_1, window_bounds = array<i64: 1024, 128>}, {transform_indices = @transform_2, window_bounds = array<i64: 1024, 1>}, {pipeline_mode = #tpu.pipeline_mode<synchronous>, transform_indices = @transform_3, window_bounds = array<i64: 1, 128>}, {pipeline_mode = #tpu.pipeline_mode<synchronous>, transform_indices = @transform_4, window_bounds = array<i64: 128, 64>}, {transform_indices = @transform_5, window_bounds = array<i64: 1024, 64>}]} {
    %get3A = arith.constant 0 : index
    %get3A_0 = arith.constant 0 : index
    %get3A_1 = arith.constant 0 : index
    %get3A_2 = vector.load %arg1[%get3A, %get3A_0, %get3A_1] : memref<2x1024x128xf32, #tpu.memory_space<vmem>>, vector<1x1024x128xf32>
    %get3A_3 = vector.shape_cast %get3A_2 : vector<1x1024x128xf32> to vector<1024x128xf32>
    %get3A_4 = arith.constant 1 : index
    %get3A_5 = arith.constant 0 : index
    %get3A_6 = arith.constant 0 : index
    %get3A_7 = vector.load %arg1[%get3A_4, %get3A_5, %get3A_6] : memref<2x1024x128xf32, #tpu.memory_space<vmem>>, vector<1x1024x128xf32>
    %get3A_8 = vector.shape_cast %get3A_7 : vector<1x1024x128xf32> to vector<1024x128xf32>
    %add3A = arith.addf %get3A_3, %get3A_8 : vector<1024x128xf32>
    %get3A_9 = arith.constant 0 : index
    %get3A_10 = arith.constant 0 : index
    %get3A_11 = vector.load %arg2[%get3A_9, %get3A_10] : memref<1024x128xf32, #tpu.memory_space<vmem>>, vector<1024x128xf32>
    %add3A_12 = arith.addf %add3A, %get3A_11 : vector<1024x128xf32>
    %get3A_13 = arith.constant 0 : index
    %get3A_14 = arith.constant 0 : index
    %get3A_15 = vector.load %arg3[%get3A_13, %get3A_14] : memref<1024x1xf32, #tpu.memory_space<vmem>>, vector<1024x1xf32>
    %mul3A = vector.broadcast %get3A_15 : vector<1024x1xf32> to vector<1024x128xf32>
    %mul3A_16 = arith.mulf %add3A_12, %mul3A : vector<1024x128xf32>
    %get3A_17 = arith.constant 0 : index
    %get3A_18 = arith.constant 0 : index
    %get3A_19 = vector.load %arg4[%get3A_17, %get3A_18] : memref<1x128xf32, #tpu.memory_space<vmem>>, vector<1x128xf32>
    %add3A_20 = vector.broadcast %get3A_19 : vector<1x128xf32> to vector<1024x128xf32>
    %add3A_21 = arith.addf %mul3A_16, %add3A_20 : vector<1024x128xf32>
    %max3A = arith.constant 0.000000e+00 : f32
    %max3A_22 = vector.broadcast %max3A : f32 to vector<1024x128xf32>
    %max3A_23 = arith.maximumf %add3A_21, %max3A_22 : vector<1024x128xf32>
    %get3A_24 = arith.constant 0 : index
    %get3A_25 = arith.constant 0 : index
    %get3A_26 = vector.load %arg5[%get3A_24, %get3A_25] : memref<128x64xf32, #tpu.memory_space<vmem>>, vector<128x64xf32>
    %dot_general3A = arith.constant dense<0.000000e+00> : vector<1024x64xf32>
    %dot_general3A_27 = tpu.matmul %max3A_23, %get3A_26, %dot_general3A {dimension_numbers = #tpu.dot_dimension_numbers<[1], [0], [0], [1], [0, 0, 1, 1], [], []>, transpose_lhs_hint = false} : vector<1024x128xf32>, vector<128x64xf32>, vector<1024x64xf32> -> vector<1024x64xf32>
    %get3A_28 = arith.constant 0 : index
    %get3A_29 = arith.constant 0 : index
    %get3A_30 = vector.load %arg3[%get3A_28, %get3A_29] : memref<1024x1xf32, #tpu.memory_space<vmem>>, vector<1024x1xf32>
    %mul3A_31 = vector.broadcast %get3A_30 : vector<1024x1xf32> to vector<1024x64xf32>
    %mul3A_32 = arith.mulf %dot_general3A_27, %mul3A_31 : vector<1024x64xf32>
    %swap3A = arith.constant 0 : index
    %swap3A_33 = arith.constant 0 : index
    %swap3A_34 = vector.load %arg6[%swap3A, %swap3A_33] : memref<1024x64xf32, #tpu.memory_space<vmem>>, vector<1024x64xf32>
    tpu.vector_store %arg6[%swap3A, %swap3A_33], %mul3A_32 {strides = array<i32>} : memref<1024x64xf32, #tpu.memory_space<vmem>>, vector<1024x64xf32>,
    return
  }
  func.func @transform_0(%arg0: i32) -> (i32, i32, i32) {
    %c0_i32 = arith.constant 0 : i32
    %c0_i32_0 = arith.constant 0 : i32
    %c0_i32_1 = arith.constant 0 : i32
    return %c0_i32, %arg0, %c0_i32_0 : i32, i32, i32
  }
  func.func @transform_1(%arg0: i32) -> (i32, i32) {
    %c0_i32 = arith.constant 0 : i32
    %c0_i32_0 = arith.constant 0 : i32
    return %arg0, %c0_i32 : i32, i32
  }
  func.func @transform_2(%arg0: i32) -> (i32, i32) {
    %c0_i32 = arith.constant 0 : i32
    %c0_i32_0 = arith.constant 0 : i32
    return %arg0, %c0_i32 : i32, i32
  }
  func.func @transform_3(%arg0: i32) -> (i32, i32) {
    %c0_i32 = arith.constant 0 : i32
    %c0_i32_0 = arith.constant 0 : i32
    %c0_i32_1 = arith.constant 0 : i32
    return %c0_i32, %c0_i32_0 : i32, i32
  }
  func.func @transform_4(%arg0: i32) -> (i32, i32) {
    %c0_i32 = arith.constant 0 : i32
    %c0_i32_0 = arith.constant 0 : i32
    %c0_i32_1 = arith.constant 0 : i32
    return %c0_i32, %c0_i32_0 : i32, i32
  }
  func.func @transform_5(%arg0: i32) -> (i32, i32) {
    %c0_i32 = arith.constant 0 : i32
    %c0_i32_0 = arith.constant 0 : i32
    return %arg0, %c0_i32 : i32, i32
  }
}

module attributes {stable_mosaic.version = 14 : i64} {
  func.func @body(%arg0: i32, %arg1: memref<2x1024x64xf32, #tpu.memory_space<vmem>>, %arg2: memref<1024x64xf32, #tpu.memory_space<vmem>>, %arg3: memref<1024x1xf32, #tpu.memory_space<vmem>>, %arg4: memref<1x64xf32, #tpu.memory_space<vmem>>, %arg5: memref<1024x64xf32, #tpu.memory_space<vmem>>) attributes {dimension_semantics = [#tpu.dimension_semantics<arbitrary>], iteration_bounds = array<i64: 10>, scalar_prefetch = 0 : i64, scratch_operands = 0 : i64, tpu.core_type = #tpu.core_type<tc>, window_params = [{transform_indices = @transform_0, window_bounds = array<i64: 2, 1024, 64>}, {transform_indices = @transform_1, window_bounds = array<i64: 1024, 64>}, {transform_indices = @transform_2, window_bounds = array<i64: 1024, 1>}, {pipeline_mode = #tpu.pipeline_mode<synchronous>, transform_indices = @transform_3, window_bounds = array<i64: 1, 64>}, {transform_indices = @transform_4, window_bounds = array<i64: 1024, 64>}]} {
    %get3A = arith.constant 0 : index
    %get3A_0 = arith.constant 0 : index
    %get3A_1 = arith.constant 0 : index
    %get3A_2 = vector.load %arg1[%get3A, %get3A_0, %get3A_1] : memref<2x1024x64xf32, #tpu.memory_space<vmem>>, vector<1x1024x64xf32>
    %get3A_3 = vector.shape_cast %get3A_2 : vector<1x1024x64xf32> to vector<1024x64xf32>
    %get3A_4 = arith.constant 1 : index
    %get3A_5 = arith.constant 0 : index
    %get3A_6 = arith.constant 0 : index
    %get3A_7 = vector.load %arg1[%get3A_4, %get3A_5, %get3A_6] : memref<2x1024x64xf32, #tpu.memory_space<vmem>>, vector<1x1024x64xf32>
    %get3A_8 = vector.shape_cast %get3A_7 : vector<1x1024x64xf32> to vector<1024x64xf32>
    %add3A = arith.addf %get3A_3, %get3A_8 : vector<1024x64xf32>
    %get3A_9 = arith.constant 0 : index
    %get3A_10 = arith.constant 0 : index
    %get3A_11 = vector.load %arg2[%get3A_9, %get3A_10] : memref<1024x64xf32, #tpu.memory_space<vmem>>, vector<1024x64xf32>
    %add3A_12 = arith.addf %add3A, %get3A_11 : vector<1024x64xf32>
    %get3A_13 = arith.constant 0 : index
    %get3A_14 = arith.constant 0 : index
    %get3A_15 = vector.load %arg3[%get3A_13, %get3A_14] : memref<1024x1xf32, #tpu.memory_space<vmem>>, vector<1024x1xf32>
    %mul3A = vector.broadcast %get3A_15 : vector<1024x1xf32> to vector<1024x64xf32>
    %mul3A_16 = arith.mulf %add3A_12, %mul3A : vector<1024x64xf32>
    %get3A_17 = arith.constant 0 : index
    %get3A_18 = arith.constant 0 : index
    %get3A_19 = vector.load %arg4[%get3A_17, %get3A_18] : memref<1x64xf32, #tpu.memory_space<vmem>>, vector<1x64xf32>
    %add3A_20 = vector.broadcast %get3A_19 : vector<1x64xf32> to vector<1024x64xf32>
    %add3A_21 = arith.addf %mul3A_16, %add3A_20 : vector<1024x64xf32>
    %reduce_max3A = arith.constant dense<0xFF800000> : vector<1024xf32>
    %reduce_max3A_22 = vector.multi_reduction <maximumf>, %add3A_21, %reduce_max3A [1] : vector<1024x64xf32> to vector<1024xf32>
    %broadcast_in_dim3A = vector.shape_cast %reduce_max3A_22 : vector<1024xf32> to vector<1024x1xf32>
    %sub3A = vector.broadcast %broadcast_in_dim3A : vector<1024x1xf32> to vector<1024x64xf32>
    %sub3A_23 = arith.subf %add3A_21, %sub3A : vector<1024x64xf32>
    %exp3A = math.exp %sub3A_23 : vector<1024x64xf32>
    %reduce_sum3A = arith.constant dense<0.000000e+00> : vector<1024xf32>
    %reduce_sum3A_24 = vector.multi_reduction <add>, %exp3A, %reduce_sum3A [1] : vector<1024x64xf32> to vector<1024xf32>
    %broadcast_in_dim3A_25 = vector.shape_cast %reduce_sum3A_24 : vector<1024xf32> to vector<1024x1xf32>
    %log3A = math.log %broadcast_in_dim3A_25 : vector<1024x1xf32>
    %add3A_26 = arith.addf %log3A, %broadcast_in_dim3A : vector<1024x1xf32>
    %sub3A_27 = vector.broadcast %add3A_26 : vector<1024x1xf32> to vector<1024x64xf32>
    %sub3A_28 = arith.subf %add3A_21, %sub3A_27 : vector<1024x64xf32>
    %swap3A = arith.constant 0 : index
    %swap3A_29 = arith.constant 0 : index
    %swap3A_30 = vector.load %arg5[%swap3A, %swap3A_29] : memref<1024x64xf32, #tpu.memory_space<vmem>>, vector<1024x64xf32>
    tpu.vector_store %arg5[%swap3A, %swap3A_29], %sub3A_28 {strides = array<i32>} : memref<1024x64xf32, #tpu.memory_space<vmem>>, vector<1024x64xf32>,
    return
  }
  func.func @transform_0(%arg0: i32) -> (i32, i32, i32) {
    %c0_i32 = arith.constant 0 : i32
    %c0_i32_0 = arith.constant 0 : i32
    %c0_i32_1 = arith.constant 0 : i32
    return %c0_i32, %arg0, %c0_i32_0 : i32, i32, i32
  }
  func.func @transform_1(%arg0: i32) -> (i32, i32) {
    %c0_i32 = arith.constant 0 : i32
    %c0_i32_0 = arith.constant 0 : i32
    return %arg0, %c0_i32 : i32, i32
  }
  func.func @transform_2(%arg0: i32) -> (i32, i32) {
    %c0_i32 = arith.constant 0 : i32
    %c0_i32_0 = arith.constant 0 : i32
    return %arg0, %c0_i32 : i32, i32
  }
  func.func @transform_3(%arg0: i32) -> (i32, i32) {
    %c0_i32 = arith.constant 0 : i32
    %c0_i32_0 = arith.constant 0 : i32
    %c0_i32_1 = arith.constant 0 : i32
    return %c0_i32, %c0_i32_0 : i32, i32
  }
  func.func @transform_4(%arg0: i32) -> (i32, i32) {
    %c0_i32 = arith.constant 0 : i32
    %c0_i32_0 = arith.constant 0 : i32
    return %arg0, %c0_i32 : i32, i32
  }
}

</mosaic_0001>

<sc_bundles>
// kernel: kernel.12.cloned.1.call-start
scs
__scs_entry_jumppad:
0x0: {  	(pc) =	sbr.rel $0x88, $3  }
0x1: {  	(tag) =	ssettag $0x0;
	lr =	simm.s32 $0x1  }
0x2: {  	[smem:$0x3F9B] =	sst lr;
	_ =	strace $0xD0000000  }
0x3: {  	_ = 	snop  }
0x4: {  	_ = 	snop  }
0x5: {  	_ = 	snop  }
0x6: {  	_ = 	snop  }
0x7: {  	_ = 	snop  }
__scs_overlays_trampoline_lowered:
0x8: {  	[smem:$0x3FAA] =	sst s0  }
0x9: {  	[smem:$0x3FAB] =	sst s1  }
0xa: {  	[smem:$0x3FAC] =	sst s2  }
0xb: {  	[smem:$0x3FAD] =	sst s3  }
0xc: {  	[smem:$0x3FAE] =	sst s4  }
0xd: {  	[smem:$0x3FAF] =	sst s5  }
0xe: {  	[smem:$0x3FB0] =	sst s6  }
0xf: {  	[smem:$0x3FB1] =	sst s7  }
0x10: {  	[smem:$0x3FB2] =	sst s8  }
0x11: {  	[smem:$0x3FB3] =	sst s9;
	s0 =	simm.s32 @!p0 $0x0  }
0x12: {  	s1 =	sld [smem:$0x3F99];
	s0 =	simm.s32 @p0 $0x1  }
0x13: {  	[smem:$0x3FB4] =	sst s0;
	s0 =	simm.s32 @!p1 $0x0  }
0x14: {  	s2 =	sld [smem:$0x3F98];
	s0 =	simm.s32 @p1 $0x1  }
0x15: {  	[smem:$0x3FB5] =	sst s0;
	s0 =	simm.s32 @!p2 $0x0  }
0x16: {  	s3 =	sld [smem:$0x3FDB];
	s0 =	simm.s32 @p2 $0x1  }
0x17: {  	s4 =	simm.s32 $0x1BF5;
	[smem:$0x3FB7] =	sst s0  }
0x18: {  	s0 =	sld [smem:$0x3F9A];
	_ =	swait.ge [sflag:s4], $0x0  }
0x19: {  	s7 =	sld [smem:$0x3F9B]  }
0x1a: {  	s8 =	sadd.s32 $0xFFFFE003, lr  }
0x1b: {  	s9 =	sadd.s32 $0xFFFFFEF7, lr;
	s5 =	simm.s32 $0xFFFFFFFF;
	p2 =	slt.u32 s8, $0xFFFFF086  }
0x1c: {  	p1 =	slt.u32 s9, $0xF7A;
	s5 =	simm.s32 @!p2 $0x0  }
0x1d: {  	s5 =	simm.s32 @p1 $0x1;
	p0 =	seq.s32 s7, s2  }
0x1e: {  	s7 =	smul.u32 @!p0 $0xF7A, s2;
	p2 =	seq.s32 @!p0 s5, $0x0  }
0x1f: {  	s9 =	smul.u32 $0xF7A, s1;
	s8 =	simm.s32 @!p0 $0x1BF5;
	p2 =	por !p2, p0  }
0x20: {  	[sflag:s8] =	ssyncset.s32 @!p0 $0xFFFFF086;
	s6 =	sadd.s32 @!p0 s3, s7;
	s7 =	simm.s32 @!p0 $0x108  }
0x21: {  	s3 =	sadd.s32 s3, s9;
	s6 =	sadd.s32 @!p0 $0x88, s6;
	s7 =	simm.s32 @p2 $0x1082  }
0x22: {  	[simem:s7], [sflag:s8] =	dma.local @!p0 [hbm:s6], $0xF7A  }
0x23: {  	s9 =	sor.u32 $0xD0000000, s2;
	s6 =	simm.s32 $0x108;
	_ =	swait.ge @!p0 [sflag:s8], $0x0  }
0x24: {  	s3 =	sadd.s32 $0x88, s3;
	s6 =	simm.s32 @!p1 $0x1082;
	[sflag:s4] =	ssyncset.s32 $0xFFFFF086  }
0x25: {  	[simem:s6], [sflag:s4] =	dma.local [hbm:s3], $0xF7A  }
0x26: {  	[smem:$0x3F9B] =	sst s1;
	(tag) =	ssettag s2;
	_ =	strace s9  }
0x27: {  	s1 =	sld [smem:$0x3FAB]  }
0x28: {  	s2 =	sld [smem:$0x3FAC]  }
0x29: {  	s4 =	sld [smem:$0x3FAE]  }
0x2a: {  	p0 =	seq.s32 s5, $0x0;
	s5 =	sld [smem:$0x3FAF]  }
0x2b: {  	s6 =	sld [smem:$0x3FB0]  }
0x2c: {  	s7 =	sld [smem:$0x3FB1]  }
0x2d: {  	s3 =	simm.s32 $0x108;
	s8 =	sld [smem:$0x3FB2]  }
0x2e: {  	s3 =	simm.s32 @!p0 $0x1082;
	s9 =	sld [smem:$0x3FB3]  }
0x2f: {  	lr =	sadd.s32 s0, s3;
	s0 =	sld [smem:$0x3FAA]  }
0x30: {  	s3 =	sld [smem:$0x3FAD]  }
0x31: {  	[smem:$0x3FB6] =	sst s10  }
0x32: {  	s10 =	sld [smem:$0x3FB4];
	_ =	sdelay $0x3  }
0x33: {  	p0 =	seq.s32 s10, $0x1;
	s10 =	sld [smem:$0x3FB6];
	_ =	sdelay $0x3  }
0x34: {  	[smem:$0x3FB6] =	sst s10  }
0x35: {  	s10 =	sld [smem:$0x3FB5];
	_ =	sdelay $0x3  }
0x36: {  	p1 =	seq.s32 s10, $0x1;
	s10 =	sld [smem:$0x3FB6];
	_ =	sdelay $0x3  }
0x37: {  	[smem:$0x3FB6] =	sst s10  }
0x38: {  	s10 =	sld [smem:$0x3FB7]  }
0x39: {  	_ = 	snop;
	(pc) =	sbr.ind lr, $3  }
0x3a: {  	_ = 	snop  }
0x3b: {  	_ = 	snop  }
0x3c: {  	p2 =	seq.s32 s10, $0x1;
	s10 =	sld [smem:$0x3FB6]  }
0x3d: {  	_ =	shalt  }
0x3e: {  	_ =	shalt  }
0x3f: {  	_ =	shalt  }
0x40: {  	_ =	shalt  }
0x41: {  	_ =	shalt  }
0x42: {  	_ =	shalt  }
0x43: {  	_ =	shalt  }
0x44: {  	_ =	shalt  }
0x45: {  	_ =	shalt  }
0x46: {  	_ =	shalt  }
0x47: {  	_ =	shalt  }
0x48: {  	_ =	shalt  }
0x49: {  	_ =	shalt  }
0x4a: {  	_ =	shalt  }
0x4b: {  	_ =	shalt  }
0x4c: {  	_ =	shalt  }
0x4d: {  	_ =	shalt  }
0x4e: {  	_ =	shalt  }
0x4f: {  	_ =	shalt  }
0x50: {  	_ =	shalt  }
0x51: {  	_ =	shalt  }
0x52: {  	_ =	shalt  }
0x53: {  	_ =	shalt  }
0x54: {  	_ =	shalt  }
0x55: {  	_ =	shalt  }
0x56: {  	_ =	shalt  }
0x57: {  	_ =	shalt  }
0x58: {  	_ =	shalt  }
0x59: {  	_ =	shalt  }
0x5a: {  	_ =	shalt  }
0x5b: {  	_ =	shalt  }
0x5c: {  	_ =	shalt  }
0x5d: {  	_ =	shalt  }
0x5e: {  	_ =	shalt  }
0x5f: {  	_ =	shalt  }
0x60: {  	_ =	shalt  }
0x61: {  	_ =	shalt  }
0x62: {  	_ =	shalt  }
0x63: {  	_ =	shalt  }
0x64: {  	_ =	shalt  }
0x65: {  	_ =	shalt  }
0x66: {  	_ =	shalt  }
0x67: {  	_ =	shalt  }
0x68: {  	_ =	shalt  }
0x69: {  	_ =	shalt  }
0x6a: {  	_ =	shalt  }
0x6b: {  	_ =	shalt  }
0x6c: {  	_ =	shalt  }
0x6d: {  	_ =	shalt  }
0x6e: {  	_ =	shalt  }
0x6f: {  	_ =	shalt  }
0x70: {  	_ =	shalt  }
0x71: {  	_ =	shalt  }
0x72: {  	_ =	shalt  }
0x73: {  	_ =	shalt  }
0x74: {  	_ =	shalt  }
0x75: {  	_ =	shalt  }
0x76: {  	_ =	shalt  }
0x77: {  	_ =	shalt  }
0x78: {  	_ =	shalt  }
0x79: {  	_ =	shalt  }
0x7a: {  	_ =	shalt  }
0x7b: {  	_ =	shalt  }
0x7c: {  	_ =	shalt  }
0x7d: {  	_ =	shalt  }
0x7e: {  	_ =	shalt  }
0x7f: {  	_ =	shalt  }
0x80: {  	_ =	shalt  }
0x81: {  	_ =	shalt  }
0x82: {  	_ =	shalt  }
0x83: {  	_ =	shalt  }
0x84: {  	_ =	shalt  }
0x85: {  	_ =	shalt  }
0x86: {  	_ =	shalt  }
0x87: {  	_ =	shalt  }
.Lfunc_end0:
.L_simem_size_0:
called_computation.1_lowered:
.L_overlay_start_0:
0x88: {  	s2 =	sld [smem:$0x3FD9]  }
0x89: {  	s3 =	sld [smem:$0x3FFE];
	_ =	sdelay $0x1  }
0x8a: {  	s1 =	srdreg.scid  }
0x8b: {  	s0 =	sand.u32 $0x1, s1  }
0x8c: {  	s16 =	sshll.u32 s0, $0xA;
	s2 =	sadd.s32 s3, s2  }
0x8d: {  	s2 =	sadd.s32 s2, s16  }
0x8e: {  	[smem:$0x3FC2] =	sst s2  }
0x8f: {  	_ = 	snop  }
0x90: {  	(tm) =	ssettm $0x1  }
0x91: {  	s17 =	sld [smem:$0x3FFB];
	_ =	sdelay $0x3  }
0x92: {  	_ =	strace s17  }
0x93: {  	s2 =	sld [smem:$0x3FFC];
	_ =	sdelay $0x3  }
0x94: {  	_ =	strace s2  }
0x95: {  	s2 =	sld [smem:$0x3FFD];
	_ =	sdelay $0x3  }
0x96: {  	_ =	strace s2  }
0x97: {  	_ =	strace $0x8FFFFFFF  }
0x98: {  	s18 =	sld [smem:$0x3FDB];
	_ =	sdelay $0x1  }
0x99: {  	s19 =	simm.s32 $_scs_section_size  }
0x9a: {  	s4 =	simm.s32 $_size__tile_overlayer_lowered;
	s5 =	simm.s32 $_tile_overlayer_lowered  }
0x9b: {  	s22 =	simm.s32 $0x1BFF;
	s21 =	sshll.u32 s5, $0x1;
	s2 =	sadd.s32 s19, s18  }
0x9c: {  	s6 =	simm.s32 $0x0;
	s20 =	sshll.u32 s4, $0x1;
	s4 =	sadd.s32 s21, s2  }
0x9d: {  	[timem:s6], [sflag:s22] =	dma.local [hbm:s4], s20  }
0x9e: {  	_ =	swait.ge [sflag:s22], s20  }
0x9f: {  	s3 =	ssub.s32 $0x0, s20;
	[sflag:s22] =	ssyncset.done $0x0  }
0xa0: {  	[sflag:s22] =	ssyncadd.s32 s3;
	_ =	sdelay $0x1  }
0xa1: {  	s23 =	simm.s32 $0x1B8B  }
0xa2: {  	_ =	swait.ge [sflag:s23], $0x1  }
0xa3: {  	[sflag:s23] =	ssyncset.done $0x0  }
0xa4: {  	s25 =	simm.s32 $0x1B8E;
	s24 =	sld [smem:$0x3FFE];
	[sflag:s23] =	ssyncadd.s32 $0xFFFFFFFF  }
0xa5: {  	s26 =	simm.s32 $execute0_lowered;
	[smem:$0x3FD2] =	sst s25  }
0xa6: {  	s4 =	sshll.u32 s26, $0x1;
	_ =	strace $0x80000049;
	[dreg:$0x1] =	wrdreg $0xFFFFFFFF  }
0xa7: {  	s28 =	simm.s32 $_size_execute0_lowered;
	s2 =	sadd.s32 s2, s4;
	[dreg:$0x0] =	wrdreg $0x0  }
0xa8: {  	s4 =	sshll.u32 s28, $0x1;
	[dreg:$0x2] =	wrdreg s2  }
0xa9: {  	[dreg:$0x3] =	wrdreg s4  }
0xaa: {  	[dreg:$0x4] =	wrdreg $0xC0  }
0xab: {  	_ =	task [dreg:s6], $0x5FFFF  }
0xac: {  	[dreg:$0x1] =	wrdreg $0xFFFFFFFF  }
0xad: {  	[dreg:$0x0] =	wrdreg $0x60  }
0xae: {  	[dreg:$0x2] =	wrdreg s24  }
0xaf: {  	[dreg:$0x3] =	wrdreg $0x8E800  }
0xb0: {  	[dreg:$0x4] =	wrdreg $0x9  }
0xb1: {  	_ =	task.clear_ibuf [dreg:s6], $0x5FFFF;
	_ =	strace $0x90000049  }
0xb2: {  	s29 =	simm.s32 $0x9;
	_ =	strace $0x8000004B  }
0xb3: {  	_ =	swait.ge [sflag:s29], $0x1  }
0xb4: {  	[sflag:s29] =	ssyncadd.s32 $0xFFFFFFFF  }
0xb5: {  	_ =	strace $0x9000004B  }
0xb6: {  	_ =	sfence  }
0xb7: {  	s30 =	sld [smem:$0x0];
	_ =	sdelay $0x2  }
0xb8: {  	s31 =	sshll.u32 s1, $0xD;
	s1 =	sshrl.u32 s1, $0x2  }
0xb9: {  	s3 =	sand.u32 $0x4000, s31;
	s1 =	sadd.s32 s1, s30  }
0xba: {  	s0 =	sor.u32 s3, s0;
	s1 =	sshll.u32 s1, $0x11  }
0xbb: {  	s0 =	sor.u32 s1, s0  }
0xbc: {  	s0 =	sadd.s32 $0x8F2B, s0  }
0xbd: {  	[sflag:s0] =	ssyncadd.remote.s32 $0x1  }
0xbe: {  	_ =	sfence.sel $0xFFFF  }
0xbf: {  	[dreg:$0x0] =	wrdreg $0xFFFFFFFF;
	(pc) =	sbr.abs _section_cstart, $3  }
0xc0: {  	[dreg:$0x1] =	wrdreg $0xFFFFFFFF  }
0xc1: {  	_ =	task.clear_ibuf [dreg:s6], $0x2FFFF;
	_ =	strace $0x9FFFFFFF  }
0xc2: {  	(tm) =	ssettm $0x7FFFFFFF  }
0xc3: {  	_ =	shalt  }
tec
execute0_lowered:
.L_overlay_start_1:
0x0: {  	(tag) =	ssettag $0x1  }
0x1: {  	s6 =	rddreg [dreg:$0x0]  }
0x2: {  	s2 =	rddreg [dreg:$0x1]  }
0x3: {  	s0 =	rddreg [dreg:$0x2];
	s3 =	srdreg.scid  }
0x4: {  	s1 =	stileid.u32;
	s13 =	simm.s32 $0x2740;
	s14 =	simm.s32 $0x40  }
0x5: {  	s15 =	simm.s32 $0x4E80;
	s16 =	simm.s32 $0x6E80;
	s17 =	simm.s32 $0x1  }
0x6: {  	s18 =	simm.s32 $0x4E40;
	s19 =	simm.s32 $0x3;
	s20 =	simm.s32 $0x0  }
0x7: {  	s5 =	sand.u32 $0x1, s3;
	s4 =	sshll.u32 s1, $0x1;
	s7 =	smul.u32 $0x14000, s1  }
0x8: {  	s3 =	simm.s32 $0x0;
	s31 =	sshll.u32 s1, $0x6;
	s4 =	sor.u32 s5, s4  }
0x9: {  	s8 =	smul.u32 $0x140000, s5;
	[smem:$0x7FF] =	sst s3;
	s10 =	ssub.s32 $0x2, s5  }
0xa: {  	s5 =	sadd.s32 $0x1E00, s6;
	s9 =	smul.u32 $0x4E8, s4;
	_ =	strace $0x8000004A  }
0xb: {  	s4 =	sadd.s32 $0x20400, s6;
	s30 =	sshrl.u32 s10, $0x1;
	s8 =	sadd.s32 s7, s8  }
0xc: {  	s12 =	sadd.s32 s7, s2;
	s10 =	ssub.s32 s10, s30;
	s8 =	sshrl.u32 s8, $0x3  }
0xd: {  	s9 =	sadd.s32 s9, s6;
	s10 =	smax.u32 s10, $0x1;
	s11 =	sadd.s32 s8, s6  }
0xe: {  	s6 =	sor.u32 $0x1C05, s31;
	s7 =	sadd.s32 $0x16600, s9;
	s8 =	sadd.s32 $0xC800, s9  }
0xf: {  	s9 =	sadd.s32 $0x48400, s11;
	s11 =	sshrl.u32 s12, $0x3;
	s12 =	simm.s32 $0x5  }
.LBB2_1:
0x10: {  	[spmem:s11], [sflag:s6] =	dma.local [hbm:s5], $0x2800  }
0x11: {  	_ =	swait.ge [sflag:s12], $0x2800  }
0x12: {  	[sflag:s12] =	ssyncset.done $0x0  }
0x13: {  	[sflag:s12] =	ssyncadd.s32 $0xFFFFD800  }
0x14: {  	[tilespmem:s3], [sflag:$0x5] =	stream.linear.gather [hbm4b:s7+s3], $0x2740, $0x38;
	[tilespmem:$0x1CE80] =	vst v63  }
0x15: {  	_ =	swait.ge [sflag:s12], $0x2740  }
0x16: {  	[sflag:s12] =	ssyncset.done $0x0  }
0x17: {  	[sflag:s12] =	ssyncadd.s32 $0xFFFFD8C0  }
0x18: {  	[tilespmem:s13], [sflag:$0x5] =	stream.linear.gather [hbm4b:s8+s3], $0x2740, $0x38;
	[tilespmem:$0x1CE80] =	vst v63  }
0x19: {  	_ =	swait.ge [sflag:s12], $0x2740  }
0x1a: {  	[sflag:s12] =	ssyncset.done $0x0  }
0x1b: {  	[sflag:s12] =	ssyncadd.s32 $0xFFFFD8C0  }
0x1c: {  	[bflag:$0x0] =	sbarrier.arrive $0xFFFF  }
0x1d: {  	[tilespmem:s15], [sflag:$0x1] =	stream.indirect.gather [hbm4b:s4+s14], $0x80, s3, s14, $0xb8;
	[tilespmem:$0x1CE80] =	vst v63  }
0x1e: {  	_ = 	snop  }
0x1f: {  	[tilespmem:s16], [sflag:$0x2] =	stream.indirect.gather [hbm4b:s4+s14], $0x80, s14, s14, $0xb8;
	[tilespmem:$0x1CE80] =	vst v63  }
0x20: {  	s21 =	simm.s32 $0x2;
	s25 =	simm.s32 $0x1;
	_ =	swait.ge [sflag:s17], $0x2000  }
0x21: {  	s22 =	sand.u32 $0x1, s21;
	s21 =	simm.s32 $0x80;
	[sflag:s17] =	ssyncset.done $0x0  }
0x22: {  	s26 =	sand.u32 $0x1, s25;
	s23 =	sadd.s32 $0x3, s22;
	[sflag:s17] =	ssyncadd.s32 $0xFFFFE000  }
0x23: {  	[spmem:s2] =	stream.indirect.scatter.add.f32 [tilespmem:s15], [sflag:$0x3], $0x80, s13, s14, $0xb8;
	[tilespmem:$0x1CE80] =	vst v63  }
0x24: {  	s24 =	sshll.u32 s22, $0xD;
	s22 =	sadd.s32 $0x1, s22;
	_ =	swait.ge [sflag:s23], $0x2000  }
0x25: {  	s25 =	sadd.s32 $0x1, s26;
	s31 =	sshll.u32 s26, $0xD;
	[sflag:s23] =	ssyncset.done $0x0  }
0x26: {  	s26 =	sadd.s32 $0x3, s26;
	s30 =	sor.u32 $0x4E80, s24;
	[sflag:s23] =	ssyncadd.s32 $0xFFFFE000  }
0x27: {  	[tilespmem:s30], [sflag:s22] =	stream.indirect.gather [hbm4b:s4+s14], $0x80, s21, s14, $0xb8;
	[tilespmem:$0x1CE80] =	vst v63  }
0x28: {  	s28 =	sor.u32 $0x4E80, s31;
	s24 =	simm.s32 $0x2780;
	_ =	swait.ge [sflag:s25], $0x2000  }
0x29: {  	s23 =	simm.s32 $0x3;
	s22 =	simm.s32 $0x2780;
	[sflag:s25] =	ssyncset.done $0x0  }
.LBB2_2:
0x2a: {  	[sflag:s25] =	ssyncadd.s32 $0xFFFFE000  }
0x2b: {  	s22 =	sadd.s32 $0x40, s22;
	s21 =	sadd.s32 $0x40, s21;
	s25 =	smov.u32 s23  }
0x2c: {  	[spmem:s2] =	stream.indirect.scatter.add.f32 [tilespmem:s28], [sflag:s26], $0x80, s24, s14, $0xb8;
	[tilespmem:$0x1CE80] =	vst v63  }
0x2d: {  	p0 =	sne.s32 s23, $0x9C;
	s23 =	sadd.s32 $0x1, s23;
	s26 =	sand.u32 $0x1, s25  }
0x2e: {  	s24 =	smov.u32 s22;
	s28 =	sadd.s32 $0x3, s26;
	s29 =	sshll.u32 s26, $0xD  }
0x2f: {  	s25 =	sadd.s32 $0xFFFFFFFF, s25;
	_ =	swait.ge [sflag:s28], $0x2000  }
0x30: {  	s26 =	sadd.s32 $0x1, s26;
	s30 =	sand.u32 $0x1, s25;
	[sflag:s28] =	ssyncset.done $0x0  }
.Ltmp0:
0x31: {  	s25 =	sor.u32 $0x4E80, s29;
	[sflag:s28] =	ssyncadd.s32 $0xFFFFE000;
	(pc) =	sbr.rel @p0 .LBB2_2-.Ltmp0, $4  }
0x32: {  	[tilespmem:s25], [sflag:s26] =	stream.indirect.gather [hbm4b:s4+s14], $0x80, s21, s14, $0xb8;
	[tilespmem:$0x1CE80] =	vst v63  }
0x33: {  	s25 =	sadd.s32 $0x1, s30;
	s26 =	sshll.u32 s30, $0xD  }
0x34: {  	_ =	swait.ge [sflag:s25], $0x2000  }
0x35: {  	s28 =	sor.u32 $0x4E80, s26;
	s26 =	sadd.s32 $0x3, s30;
	[sflag:s25] =	ssyncset.done $0x0  }
0x36: {  	[sflag:s25] =	ssyncadd.s32 $0xFFFFE000  }
0x37: {  	[spmem:s2] =	stream.indirect.scatter.add.f32 [tilespmem:s28], [sflag:s26], $0x80, s24, s14, $0xb8;
	[tilespmem:$0x1CE80] =	vst v63  }
0x38: {  	_ =	swait.ge [sflag:s26], $0x2000  }
0x39: {  	[sflag:s26] =	ssyncset.done $0x0  }
0x3a: {  	[sflag:s26] =	ssyncadd.s32 $0xFFFFE000  }
0x3b: {  	_ =	swait.ge [sflag:s17], $0x2000  }
0x3c: {  	[sflag:s17] =	ssyncset.done $0x0  }
0x3d: {  	[sflag:s17] =	ssyncadd.s32 $0xFFFFE000  }
0x3e: {  	[spmem:s2] =	stream.indirect.scatter.add.f32 [tilespmem:s15], [sflag:$0x3], $0x80, s18, s14, $0xb8;
	[tilespmem:$0x1CE80] =	vst v63  }
0x3f: {  	_ =	swait.ge [sflag:s19], $0x2000  }
0x40: {  	s20 =	sadd.s32 $0x1, s20;
	[sflag:s19] =	ssyncset.done $0x0  }
0x41: {  	p0 =	sne.s32 s20, s10;
	[sflag:s19] =	ssyncadd.s32 $0xFFFFE000  }
.Ltmp1:
0x42: {  	[bflag:$0x0] =	sbarrier.arrive $0xFFFF;
	(pc) =	sbr.rel @p0 .LBB2_1-.Ltmp1, $4  }
0x43: {  	[hbm:s9], [sflag:s6] =	dma.local [spmem:s11], $0x2800  }
0x44: {  	_ =	swait.ge [sflag:s12], $0x2800  }
0x45: {  	[sflag:s12] =	ssyncset.done $0x0  }
0x46: {  	[sflag:s12] =	ssyncadd.s32 $0xFFFFD800  }
0x47: {  	_ =	sfence.sel $0x180000  }
0x48: {  	[bflag:$0x0] =	sbarrier.arrive $0xFFFF  }
0x49: {  	p0 =	sne.s32 s1, $0x0;
	_ =	strace $0x9000004A  }
0x4a: {  	s0 =	sadd.s32 @!p0 $0x100000, s0;
	[bflag:$0x2] =	sbarrier.arrive $0xFFFF  }
0x4b: {  	[sflag:s0] =	ssyncadd.tile.s32 @!p0 $0x1;
	_ =	shalt  }
.Lfunc_end2:
_tile_overlayer_lowered:
.L_overlay_start_2:
0x4c: {  	(tag) =	ssettag $0x2  }
0x4d: {  	s0 =	rddreg [dreg:$0x0];
	s2 =	stileid.u32  }
0x4e: {  	s1 =	rddreg [dreg:$0x1];
	p0 =	sne.s32 s2, $0x0  }
0x4f: {  	s3 =	rddreg [dreg:$0x2];
	[bflag:$0x3] =	sbarrier.arrive $0xFFFF;
	s2 =	simm.s32 @!p0 $0x1C05  }
0x50: {  	[timem:s3], [sflag:s2] =	dma.local @!p0 [hbm:s0], s1  }
0x51: {  	s0 =	simm.s32 @!p0 $0x5  }
0x52: {  	_ =	swait.ge @!p0 [sflag:s0], s1  }
0x53: {  	s1 =	ssub.s32 @!p0 $0x0, s1;
	[sflag:s0] =	ssyncset.done @!p0 $0x0  }
0x54: {  	[sflag:s0] =	ssyncadd.s32 @!p0 s1  }
0x55: {  	[bflag:$0x3] =	sbarrier.arrive $0xFFFF  }
0x56: {  	_ =	shalt  }

// kernel: kernel.15.cloned.1.call-start
scs
__scs_entry_jumppad:
0x0: {  	(pc) =	sbr.rel $0x88, $3  }
0x1: {  	(tag) =	ssettag $0x0;
	lr =	simm.s32 $0x1  }
0x2: {  	[smem:$0x3F9B] =	sst lr;
	_ =	strace $0xD0000000  }
0x3: {  	_ = 	snop  }
0x4: {  	_ = 	snop  }
0x5: {  	_ = 	snop  }
0x6: {  	_ = 	snop  }
0x7: {  	_ = 	snop  }
__scs_overlays_trampoline_lowered:
0x8: {  	[smem:$0x3FAA] =	sst s0  }
0x9: {  	[smem:$0x3FAB] =	sst s1  }
0xa: {  	[smem:$0x3FAC] =	sst s2  }
0xb: {  	[smem:$0x3FAD] =	sst s3  }
0xc: {  	[smem:$0x3FAE] =	sst s4  }
0xd: {  	[smem:$0x3FAF] =	sst s5  }
0xe: {  	[smem:$0x3FB0] =	sst s6  }
0xf: {  	[smem:$0x3FB1] =	sst s7  }
0x10: {  	[smem:$0x3FB2] =	sst s8  }
0x11: {  	[smem:$0x3FB3] =	sst s9;
	s0 =	simm.s32 @!p0 $0x0  }
0x12: {  	s1 =	sld [smem:$0x3F99];
	s0 =	simm.s32 @p0 $0x1  }
0x13: {  	[smem:$0x3FB4] =	sst s0;
	s0 =	simm.s32 @!p1 $0x0  }
0x14: {  	s2 =	sld [smem:$0x3F98];
	s0 =	simm.s32 @p1 $0x1  }
0x15: {  	[smem:$0x3FB5] =	sst s0;
	s0 =	simm.s32 @!p2 $0x0  }
0x16: {  	s3 =	sld [smem:$0x3FDB];
	s0 =	simm.s32 @p2 $0x1  }
0x17: {  	s4 =	simm.s32 $0x1BF5;
	[smem:$0x3FB7] =	sst s0  }
0x18: {  	s0 =	sld [smem:$0x3F9A];
	_ =	swait.ge [sflag:s4], $0x0  }
0x19: {  	s7 =	sld [smem:$0x3F9B]  }
0x1a: {  	s8 =	sadd.s32 $0xFFFFE003, lr  }
0x1b: {  	s9 =	sadd.s32 $0xFFFFFEF7, lr;
	s5 =	simm.s32 $0xFFFFFFFF;
	p2 =	slt.u32 s8, $0xFFFFF086  }
0x1c: {  	p1 =	slt.u32 s9, $0xF7A;
	s5 =	simm.s32 @!p2 $0x0  }
0x1d: {  	s5 =	simm.s32 @p1 $0x1;
	p0 =	seq.s32 s7, s2  }
0x1e: {  	s7 =	smul.u32 @!p0 $0xF7A, s2;
	p2 =	seq.s32 @!p0 s5, $0x0  }
0x1f: {  	s9 =	smul.u32 $0xF7A, s1;
	s8 =	simm.s32 @!p0 $0x1BF5;
	p2 =	por !p2, p0  }
0x20: {  	[sflag:s8] =	ssyncset.s32 @!p0 $0xFFFFF086;
	s6 =	sadd.s32 @!p0 s3, s7;
	s7 =	simm.s32 @!p0 $0x108  }
0x21: {  	s3 =	sadd.s32 s3, s9;
	s6 =	sadd.s32 @!p0 $0x88, s6;
	s7 =	simm.s32 @p2 $0x1082  }
0x22: {  	[simem:s7], [sflag:s8] =	dma.local @!p0 [hbm:s6], $0xF7A  }
0x23: {  	s9 =	sor.u32 $0xD0000000, s2;
	s6 =	simm.s32 $0x108;
	_ =	swait.ge @!p0 [sflag:s8], $0x0  }
0x24: {  	s3 =	sadd.s32 $0x88, s3;
	s6 =	simm.s32 @!p1 $0x1082;
	[sflag:s4] =	ssyncset.s32 $0xFFFFF086  }
0x25: {  	[simem:s6], [sflag:s4] =	dma.local [hbm:s3], $0xF7A  }
0x26: {  	[smem:$0x3F9B] =	sst s1;
	(tag) =	ssettag s2;
	_ =	strace s9  }
0x27: {  	s1 =	sld [smem:$0x3FAB]  }
0x28: {  	s2 =	sld [smem:$0x3FAC]  }
0x29: {  	s4 =	sld [smem:$0x3FAE]  }
0x2a: {  	p0 =	seq.s32 s5, $0x0;
	s5 =	sld [smem:$0x3FAF]  }
0x2b: {  	s6 =	sld [smem:$0x3FB0]  }
0x2c: {  	s7 =	sld [smem:$0x3FB1]  }
0x2d: {  	s3 =	simm.s32 $0x108;
	s8 =	sld [smem:$0x3FB2]  }
0x2e: {  	s3 =	simm.s32 @!p0 $0x1082;
	s9 =	sld [smem:$0x3FB3]  }
0x2f: {  	lr =	sadd.s32 s0, s3;
	s0 =	sld [smem:$0x3FAA]  }
0x30: {  	s3 =	sld [smem:$0x3FAD]  }
0x31: {  	[smem:$0x3FB6] =	sst s10  }
0x32: {  	s10 =	sld [smem:$0x3FB4];
	_ =	sdelay $0x3  }
0x33: {  	p0 =	seq.s32 s10, $0x1;
	s10 =	sld [smem:$0x3FB6];
	_ =	sdelay $0x3  }
0x34: {  	[smem:$0x3FB6] =	sst s10  }
0x35: {  	s10 =	sld [smem:$0x3FB5];
	_ =	sdelay $0x3  }
0x36: {  	p1 =	seq.s32 s10, $0x1;
	s10 =	sld [smem:$0x3FB6];
	_ =	sdelay $0x3  }
0x37: {  	[smem:$0x3FB6] =	sst s10  }
0x38: {  	s10 =	sld [smem:$0x3FB7]  }
0x39: {  	_ = 	snop;
	(pc) =	sbr.ind lr, $3  }
0x3a: {  	_ = 	snop  }
0x3b: {  	_ = 	snop  }
0x3c: {  	p2 =	seq.s32 s10, $0x1;
	s10 =	sld [smem:$0x3FB6]  }
0x3d: {  	_ =	shalt  }
0x3e: {  	_ =	shalt  }
0x3f: {  	_ =	shalt  }
0x40: {  	_ =	shalt  }
0x41: {  	_ =	shalt  }
0x42: {  	_ =	shalt  }
0x43: {  	_ =	shalt  }
0x44: {  	_ =	shalt  }
0x45: {  	_ =	shalt  }
0x46: {  	_ =	shalt  }
0x47: {  	_ =	shalt  }
0x48: {  	_ =	shalt  }
0x49: {  	_ =	shalt  }
0x4a: {  	_ =	shalt  }
0x4b: {  	_ =	shalt  }
0x4c: {  	_ =	shalt  }
0x4d: {  	_ =	shalt  }
0x4e: {  	_ =	shalt  }
0x4f: {  	_ =	shalt  }
0x50: {  	_ =	shalt  }
0x51: {  	_ =	shalt  }
0x52: {  	_ =	shalt  }
0x53: {  	_ =	shalt  }
0x54: {  	_ =	shalt  }
0x55: {  	_ =	shalt  }
0x56: {  	_ =	shalt  }
0x57: {  	_ =	shalt  }
0x58: {  	_ =	shalt  }
0x59: {  	_ =	shalt  }
0x5a: {  	_ =	shalt  }
0x5b: {  	_ =	shalt  }
0x5c: {  	_ =	shalt  }
0x5d: {  	_ =	shalt  }
0x5e: {  	_ =	shalt  }
0x5f: {  	_ =	shalt  }
0x60: {  	_ =	shalt  }
0x61: {  	_ =	shalt  }
0x62: {  	_ =	shalt  }
0x63: {  	_ =	shalt  }
0x64: {  	_ =	shalt  }
0x65: {  	_ =	shalt  }
0x66: {  	_ =	shalt  }
0x67: {  	_ =	shalt  }
0x68: {  	_ =	shalt  }
0x69: {  	_ =	shalt  }
0x6a: {  	_ =	shalt  }
0x6b: {  	_ =	shalt  }
0x6c: {  	_ =	shalt  }
0x6d: {  	_ =	shalt  }
0x6e: {  	_ =	shalt  }
0x6f: {  	_ =	shalt  }
0x70: {  	_ =	shalt  }
0x71: {  	_ =	shalt  }
0x72: {  	_ =	shalt  }
0x73: {  	_ =	shalt  }
0x74: {  	_ =	shalt  }
0x75: {  	_ =	shalt  }
0x76: {  	_ =	shalt  }
0x77: {  	_ =	shalt  }
0x78: {  	_ =	shalt  }
0x79: {  	_ =	shalt  }
0x7a: {  	_ =	shalt  }
0x7b: {  	_ =	shalt  }
0x7c: {  	_ =	shalt  }
0x7d: {  	_ =	shalt  }
0x7e: {  	_ =	shalt  }
0x7f: {  	_ =	shalt  }
0x80: {  	_ =	shalt  }
0x81: {  	_ =	shalt  }
0x82: {  	_ =	shalt  }
0x83: {  	_ =	shalt  }
0x84: {  	_ =	shalt  }
0x85: {  	_ =	shalt  }
0x86: {  	_ =	shalt  }
0x87: {  	_ =	shalt  }
.Lfunc_end0:
.L_simem_size_0:
called_computation.2_lowered:
.L_overlay_start_0:
0x88: {  	s2 =	sld [smem:$0x3FD9]  }
0x89: {  	s3 =	sld [smem:$0x3FFE];
	_ =	sdelay $0x1  }
0x8a: {  	s1 =	srdreg.scid  }
0x8b: {  	s0 =	sand.u32 $0x1, s1  }
0x8c: {  	s17 =	sshll.u32 s0, $0xA;
	s2 =	sadd.s32 s3, s2  }
0x8d: {  	s2 =	sadd.s32 s2, s17  }
0x8e: {  	[smem:$0x3FC2] =	sst s2  }
0x8f: {  	_ = 	snop  }
0x90: {  	s2 =	sld [smem:$0x3FD0];
	(tm) =	ssettm $0x1  }
0x91: {  	s18 =	sld [smem:$0x3FFB];
	_ =	sdelay $0x3  }
0x92: {  	_ =	strace s18  }
0x93: {  	s3 =	sld [smem:$0x3FFC];
	_ =	sdelay $0x3  }
0x94: {  	_ =	strace s3  }
0x95: {  	s3 =	sld [smem:$0x3FFD];
	_ =	sdelay $0x3  }
0x96: {  	_ =	strace s3  }
0x97: {  	_ =	strace $0x8FFFFFFF  }
0x98: {  	s19 =	sld [smem:$0x3FDB];
	_ =	sdelay $0x1  }
0x99: {  	s4 =	simm.s32 $_scs_section_size  }
0x9a: {  	s5 =	simm.s32 $_size__tile_overlayer_lowered;
	s6 =	simm.s32 $_tile_overlayer_lowered  }
0x9b: {  	s22 =	simm.s32 $0x1BFF;
	s21 =	sshll.u32 s6, $0x1;
	s3 =	sadd.s32 s4, s19  }
0x9c: {  	s7 =	simm.s32 $0x0;
	s20 =	sshll.u32 s5, $0x1;
	s5 =	sadd.s32 s21, s3  }
0x9d: {  	[timem:s7], [sflag:s22] =	dma.local [hbm:s5], s20  }
0x9e: {  	_ =	swait.ge [sflag:s22], s20  }
0x9f: {  	s4 =	ssub.s32 $0x0, s20;
	[sflag:s22] =	ssyncset.done $0x0  }
0xa0: {  	[sflag:s22] =	ssyncadd.s32 s4;
	_ =	sdelay $0x1  }
0xa1: {  	s23 =	simm.s32 $0x1B8B  }
0xa2: {  	_ =	swait.ge [sflag:s23], $0x1  }
0xa3: {  	[sflag:s23] =	ssyncset.done $0x0  }
0xa4: {  	s25 =	simm.s32 $0x1B8E;
	s24 =	sld [smem:$0x3FFE];
	[sflag:s23] =	ssyncadd.s32 $0xFFFFFFFF  }
0xa5: {  	s26 =	simm.s32 $execute0_lowered;
	[smem:$0x3FD2] =	sst s25  }
0xa6: {  	s5 =	sshll.u32 s26, $0x1;
	_ =	strace $0x8000004C;
	[dreg:$0x1] =	wrdreg $0xFFFFFFFF  }
0xa7: {  	s28 =	simm.s32 $_size_execute0_lowered;
	s3 =	sadd.s32 s3, s5;
	[dreg:$0x0] =	wrdreg $0x0  }
0xa8: {  	s5 =	sshll.u32 s28, $0x1;
	[dreg:$0x2] =	wrdreg s3  }
0xa9: {  	[dreg:$0x3] =	wrdreg s5  }
0xaa: {  	[dreg:$0x4] =	wrdreg $0xC0  }
0xab: {  	_ =	task [dreg:s7], $0x5FFFF  }
0xac: {  	[dreg:$0x1] =	wrdreg $0xFFFFFFFF  }
0xad: {  	[dreg:$0x0] =	wrdreg $0x60  }
0xae: {  	[dreg:$0x2] =	wrdreg s24  }
0xaf: {  	[dreg:$0x3] =	wrdreg s2  }
0xb0: {  	[dreg:$0x4] =	wrdreg $0x8F000  }
0xb1: {  	[dreg:$0x5] =	wrdreg $0x9  }
0xb2: {  	_ =	task.clear_ibuf [dreg:s7], $0x6FFFF;
	_ =	strace $0x9000004C  }
0xb3: {  	s29 =	simm.s32 $0x9;
	_ =	strace $0x8000004E  }
0xb4: {  	_ =	swait.ge [sflag:s29], $0x1  }
0xb5: {  	[sflag:s29] =	ssyncadd.s32 $0xFFFFFFFF  }
0xb6: {  	_ =	strace $0x9000004E  }
0xb7: {  	_ =	sfence  }
0xb8: {  	s30 =	sld [smem:$0x0];
	_ =	sdelay $0x2  }
0xb9: {  	s31 =	sshll.u32 s1, $0xD;
	s1 =	sshrl.u32 s1, $0x2  }
0xba: {  	s3 =	sand.u32 $0x4000, s31;
	s1 =	sadd.s32 s1, s30  }
0xbb: {  	s0 =	sor.u32 s3, s0;
	s1 =	sshll.u32 s1, $0x11  }
0xbc: {  	s0 =	sor.u32 s1, s0  }
0xbd: {  	s0 =	sadd.s32 $0x8F2B, s0  }
0xbe: {  	[sflag:s0] =	ssyncadd.remote.s32 $0x1  }
0xbf: {  	_ =	sfence.sel $0xFFFF  }
0xc0: {  	[dreg:$0x0] =	wrdreg $0xFFFFFFFF;
	(pc) =	sbr.abs _section_cstart, $3  }
0xc1: {  	[dreg:$0x1] =	wrdreg $0xFFFFFFFF  }
0xc2: {  	_ =	task.clear_ibuf [dreg:s7], $0x2FFFF;
	_ =	strace $0x9FFFFFFF  }
0xc3: {  	(tm) =	ssettm $0x7FFFFFFF  }
tec
execute0_lowered:
.L_overlay_start_1:
0x0: {  	(tag) =	ssettag $0x1  }
0x1: {  	s6 =	rddreg [dreg:$0x0]  }
0x2: {  	s8 =	rddreg [dreg:$0x1]  }
0x3: {  	s2 =	rddreg [dreg:$0x2]  }
0x4: {  	s0 =	rddreg [dreg:$0x3];
	s3 =	srdreg.scid  }
0x5: {  	s1 =	stileid.u32;
	s14 =	simm.s32 $0x80;
	s15 =	simm.s32 $0x4F00  }
0x6: {  	s16 =	simm.s32 $0x6F00;
	s17 =	simm.s32 $0x1;
	s18 =	simm.s32 $0x4E80  }
0x7: {  	s19 =	simm.s32 $0x3;
	s20 =	simm.s32 $0x0;
	s5 =	sand.u32 $0x1, s3  }
0x8: {  	s4 =	sshll.u32 s1, $0x1;
	s7 =	smul.u32 $0xA000, s1;
	s3 =	simm.s32 $0x0  }
0x9: {  	s31 =	sshll.u32 s1, $0x6;
	s4 =	sor.u32 s5, s4;
	s9 =	smul.u32 $0xA0000, s5  }
0xa: {  	[smem:$0x7FF] =	sst s3;
	s12 =	ssub.s32 $0x2, s5;
	s5 =	sadd.s32 $0x15E00, s6  }
0xb: {  	s10 =	smul.u32 $0x4F0, s4;
	_ =	strace $0x8000004D;
	s4 =	sadd.s32 $0x1E00, s6  }
0xc: {  	s30 =	sshrl.u32 s12, $0x1;
	s13 =	sadd.s32 s7, s2;
	s9 =	sadd.s32 s7, s9  }
0xd: {  	s12 =	ssub.s32 s12, s30;
	s11 =	sadd.s32 s10, s6;
	s9 =	sshrl.u32 s9, $0x3  }
0xe: {  	s8 =	sadd.s32 s8, s10;
	s10 =	smax.u32 s12, $0x1;
	s12 =	simm.s32 $0x5  }
0xf: {  	s9 =	sadd.s32 s9, s6;
	s6 =	sor.u32 $0x1C05, s31;
	s7 =	sadd.s32 $0x98400, s11  }
0x10: {  	s11 =	sshrl.u32 s13, $0x3;
	s13 =	simm.s32 $0x2780;
	s9 =	sadd.s32 $0x17200, s9  }
.LBB2_1:
0x11: {  	[spmem:s11], [sflag:s6] =	dma.local [hbm:s5], $0x1400  }
0x12: {  	_ =	swait.ge [sflag:s12], $0x1400  }
0x13: {  	[sflag:s12] =	ssyncset.done $0x0  }
0x14: {  	[sflag:s12] =	ssyncadd.s32 $0xFFFFEC00  }
0x15: {  	[tilespmem:s3], [sflag:$0x5] =	stream.linear.gather [hbm4b:s7+s3], $0x2780, $0x38;
	[tilespmem:$0x12F00] =	vst v63  }
0x16: {  	_ =	swait.ge [sflag:s12], $0x2780  }
0x17: {  	[sflag:s12] =	ssyncset.done $0x0  }
0x18: {  	[sflag:s12] =	ssyncadd.s32 $0xFFFFD880  }
0x19: {  	[tilespmem:s13], [sflag:$0x5] =	stream.linear.gather [hbm4b:s8+s3], $0x2780, $0x38;
	[tilespmem:$0x12F00] =	vst v63  }
0x1a: {  	_ =	swait.ge [sflag:s12], $0x2780  }
0x1b: {  	[sflag:s12] =	ssyncset.done $0x0  }
0x1c: {  	[sflag:s12] =	ssyncadd.s32 $0xFFFFD880  }
0x1d: {  	[bflag:$0x0] =	sbarrier.arrive $0xFFFF  }
0x1e: {  	[tilespmem:s15], [sflag:$0x1] =	stream.indirect.gather [hbm4b:s4+s14], $0x40, s3, s14, $0xb8;
	[tilespmem:$0x12F00] =	vst v63  }
0x1f: {  	_ = 	snop  }
0x20: {  	[tilespmem:s16], [sflag:$0x2] =	stream.indirect.gather [hbm4b:s4+s14], $0x40, s14, s14, $0xb8;
	[tilespmem:$0x12F00] =	vst v63  }
0x21: {  	s21 =	simm.s32 $0x2;
	s25 =	simm.s32 $0x1;
	_ =	swait.ge [sflag:s17], $0x2000  }
0x22: {  	s22 =	sand.u32 $0x1, s21;
	s21 =	simm.s32 $0x100;
	[sflag:s17] =	ssyncset.done $0x0  }
0x23: {  	s26 =	sand.u32 $0x1, s25;
	s23 =	sadd.s32 $0x3, s22;
	[sflag:s17] =	ssyncadd.s32 $0xFFFFE000  }
0x24: {  	[spmem:s2] =	stream.indirect.scatter.add.f32 [tilespmem:s15], [sflag:$0x3], $0x40, s13, s14, $0xb8;
	[tilespmem:$0x12F00] =	vst v63  }
0x25: {  	s24 =	sshll.u32 s22, $0xD;
	s22 =	sadd.s32 $0x1, s22;
	_ =	swait.ge [sflag:s23], $0x2000  }
0x26: {  	s25 =	sadd.s32 $0x1, s26;
	s31 =	sshll.u32 s26, $0xD;
	[sflag:s23] =	ssyncset.done $0x0  }
0x27: {  	s26 =	sadd.s32 $0x3, s26;
	s30 =	sor.u32 $0x4F00, s24;
	[sflag:s23] =	ssyncadd.s32 $0xFFFFE000  }
0x28: {  	[tilespmem:s30], [sflag:s22] =	stream.indirect.gather [hbm4b:s4+s14], $0x40, s21, s14, $0xb8;
	[tilespmem:$0x12F00] =	vst v63  }
0x29: {  	s28 =	sor.u32 $0x4F00, s31;
	s24 =	simm.s32 $0x2800;
	_ =	swait.ge [sflag:s25], $0x2000  }
0x2a: {  	s23 =	simm.s32 $0x3;
	s22 =	simm.s32 $0x2800;
	[sflag:s25] =	ssyncset.done $0x0  }
.LBB2_2:
0x2b: {  	[sflag:s25] =	ssyncadd.s32 $0xFFFFE000  }
0x2c: {  	s22 =	sadd.s32 $0x80, s22;
	s21 =	sadd.s32 $0x80, s21;
	s25 =	smov.u32 s23  }
0x2d: {  	[spmem:s2] =	stream.indirect.scatter.add.f32 [tilespmem:s28], [sflag:s26], $0x40, s24, s14, $0xb8;
	[tilespmem:$0x12F00] =	vst v63  }
0x2e: {  	p0 =	sne.s32 s23, $0x4E;
	s23 =	sadd.s32 $0x1, s23;
	s26 =	sand.u32 $0x1, s25  }
0x2f: {  	s24 =	smov.u32 s22;
	s28 =	sadd.s32 $0x3, s26;
	s29 =	sshll.u32 s26, $0xD  }
0x30: {  	s25 =	sadd.s32 $0xFFFFFFFF, s25;
	_ =	swait.ge [sflag:s28], $0x2000  }
0x31: {  	s26 =	sadd.s32 $0x1, s26;
	s30 =	sand.u32 $0x1, s25;
	[sflag:s28] =	ssyncset.done $0x0  }
.Ltmp0:
0x32: {  	s25 =	sor.u32 $0x4F00, s29;
	[sflag:s28] =	ssyncadd.s32 $0xFFFFE000;
	(pc) =	sbr.rel @p0 .LBB2_2-.Ltmp0, $4  }
0x33: {  	[tilespmem:s25], [sflag:s26] =	stream.indirect.gather [hbm4b:s4+s14], $0x40, s21, s14, $0xb8;
	[tilespmem:$0x12F00] =	vst v63  }
0x34: {  	s25 =	sadd.s32 $0x1, s30;
	s26 =	sshll.u32 s30, $0xD  }
0x35: {  	_ =	swait.ge [sflag:s25], $0x2000  }
0x36: {  	s28 =	sor.u32 $0x4F00, s26;
	s26 =	sadd.s32 $0x3, s30;
	[sflag:s25] =	ssyncset.done $0x0  }
0x37: {  	[sflag:s25] =	ssyncadd.s32 $0xFFFFE000  }
0x38: {  	[spmem:s2] =	stream.indirect.scatter.add.f32 [tilespmem:s28], [sflag:s26], $0x40, s24, s14, $0xb8;
	[tilespmem:$0x12F00] =	vst v63  }
0x39: {  	_ =	swait.ge [sflag:s26], $0x2000  }
0x3a: {  	[sflag:s26] =	ssyncset.done $0x0  }
0x3b: {  	[sflag:s26] =	ssyncadd.s32 $0xFFFFE000  }
0x3c: {  	_ =	swait.ge [sflag:s17], $0x2000  }
0x3d: {  	[sflag:s17] =	ssyncset.done $0x0  }
0x3e: {  	[sflag:s17] =	ssyncadd.s32 $0xFFFFE000  }
0x3f: {  	[spmem:s2] =	stream.indirect.scatter.add.f32 [tilespmem:s15], [sflag:$0x3], $0x40, s18, s14, $0xb8;
	[tilespmem:$0x12F00] =	vst v63  }
0x40: {  	_ =	swait.ge [sflag:s19], $0x2000  }
0x41: {  	s20 =	sadd.s32 $0x1, s20;
	[sflag:s19] =	ssyncset.done $0x0  }
0x42: {  	p0 =	sne.s32 s20, s10;
	[sflag:s19] =	ssyncadd.s32 $0xFFFFE000  }
.Ltmp1:
0x43: {  	[bflag:$0x0] =	sbarrier.arrive $0xFFFF;
	(pc) =	sbr.rel @p0 .LBB2_1-.Ltmp1, $4  }
0x44: {  	[hbm:s9], [sflag:s6] =	dma.local [spmem:s11], $0x1400  }
0x45: {  	_ =	swait.ge [sflag:s12], $0x1400  }
0x46: {  	[sflag:s12] =	ssyncset.done $0x0  }
0x47: {  	[sflag:s12] =	ssyncadd.s32 $0xFFFFEC00  }
0x48: {  	_ =	sfence.sel $0x180000  }
0x49: {  	[bflag:$0x0] =	sbarrier.arrive $0xFFFF  }
0x4a: {  	p0 =	sne.s32 s1, $0x0;
	_ =	strace $0x9000004D  }
0x4b: {  	s0 =	sadd.s32 @!p0 $0x100000, s0;
	[bflag:$0x2] =	sbarrier.arrive $0xFFFF  }
0x4c: {  	[sflag:s0] =	ssyncadd.tile.s32 @!p0 $0x1;
	_ =	shalt  }
.Lfunc_end2:
_tile_overlayer_lowered:
.L_overlay_start_2:
0x4d: {  	(tag) =	ssettag $0x2  }
0x4e: {  	s0 =	rddreg [dreg:$0x0];
	s2 =	stileid.u32  }
0x4f: {  	s1 =	rddreg [dreg:$0x1];
	p0 =	sne.s32 s2, $0x0  }
0x50: {  	s3 =	rddreg [dreg:$0x2];
	[bflag:$0x3] =	sbarrier.arrive $0xFFFF;
	s2 =	simm.s32 @!p0 $0x1C05  }
0x51: {  	[timem:s3], [sflag:s2] =	dma.local @!p0 [hbm:s0], s1  }
0x52: {  	s0 =	simm.s32 @!p0 $0x5  }
0x53: {  	_ =	swait.ge @!p0 [sflag:s0], s1  }
0x54: {  	s1 =	ssub.s32 @!p0 $0x0, s1;
	[sflag:s0] =	ssyncset.done @!p0 $0x0  }
0x55: {  	[sflag:s0] =	ssyncadd.s32 @!p0 s1  }
0x56: {  	[bflag:$0x3] =	sbarrier.arrive $0xFFFF  }
0x57: {  	_ =	shalt  }

// kernel: kernel.9.cloned.1.call-start
scs
__scs_entry_jumppad:
0x0: {  	(pc) =	sbr.rel $0x88, $3  }
0x1: {  	(tag) =	ssettag $0x0;
	lr =	simm.s32 $0x1  }
0x2: {  	[smem:$0x3F9B] =	sst lr;
	_ =	strace $0xD0000000  }
0x3: {  	_ = 	snop  }
0x4: {  	_ = 	snop  }
0x5: {  	_ = 	snop  }
0x6: {  	_ = 	snop  }
0x7: {  	_ = 	snop  }
__scs_overlays_trampoline_lowered:
0x8: {  	[smem:$0x3FAA] =	sst s0  }
0x9: {  	[smem:$0x3FAB] =	sst s1  }
0xa: {  	[smem:$0x3FAC] =	sst s2  }
0xb: {  	[smem:$0x3FAD] =	sst s3  }
0xc: {  	[smem:$0x3FAE] =	sst s4  }
0xd: {  	[smem:$0x3FAF] =	sst s5  }
0xe: {  	[smem:$0x3FB0] =	sst s6  }
0xf: {  	[smem:$0x3FB1] =	sst s7  }
0x10: {  	[smem:$0x3FB2] =	sst s8  }
0x11: {  	[smem:$0x3FB3] =	sst s9;
	s0 =	simm.s32 @!p0 $0x0  }
0x12: {  	s1 =	sld [smem:$0x3F99];
	s0 =	simm.s32 @p0 $0x1  }
0x13: {  	[smem:$0x3FB4] =	sst s0;
	s0 =	simm.s32 @!p1 $0x0  }
0x14: {  	s2 =	sld [smem:$0x3F98];
	s0 =	simm.s32 @p1 $0x1  }
0x15: {  	[smem:$0x3FB5] =	sst s0;
	s0 =	simm.s32 @!p2 $0x0  }
0x16: {  	s3 =	sld [smem:$0x3FDB];
	s0 =	simm.s32 @p2 $0x1  }
0x17: {  	s4 =	simm.s32 $0x1BF5;
	[smem:$0x3FB7] =	sst s0  }
0x18: {  	s0 =	sld [smem:$0x3F9A];
	_ =	swait.ge [sflag:s4], $0x0  }
0x19: {  	s7 =	sld [smem:$0x3F9B]  }
0x1a: {  	s8 =	sadd.s32 $0xFFFFE003, lr  }
0x1b: {  	s9 =	sadd.s32 $0xFFFFFEF7, lr;
	s5 =	simm.s32 $0xFFFFFFFF;
	p2 =	slt.u32 s8, $0xFFFFF086  }
0x1c: {  	p1 =	slt.u32 s9, $0xF7A;
	s5 =	simm.s32 @!p2 $0x0  }
0x1d: {  	s5 =	simm.s32 @p1 $0x1;
	p0 =	seq.s32 s7, s2  }
0x1e: {  	s7 =	smul.u32 @!p0 $0xF7A, s2;
	p2 =	seq.s32 @!p0 s5, $0x0  }
0x1f: {  	s9 =	smul.u32 $0xF7A, s1;
	s8 =	simm.s32 @!p0 $0x1BF5;
	p2 =	por !p2, p0  }
0x20: {  	[sflag:s8] =	ssyncset.s32 @!p0 $0xFFFFF086;
	s6 =	sadd.s32 @!p0 s3, s7;
	s7 =	simm.s32 @!p0 $0x108  }
0x21: {  	s3 =	sadd.s32 s3, s9;
	s6 =	sadd.s32 @!p0 $0x88, s6;
	s7 =	simm.s32 @p2 $0x1082  }
0x22: {  	[simem:s7], [sflag:s8] =	dma.local @!p0 [hbm:s6], $0xF7A  }
0x23: {  	s9 =	sor.u32 $0xD0000000, s2;
	s6 =	simm.s32 $0x108;
	_ =	swait.ge @!p0 [sflag:s8], $0x0  }
0x24: {  	s3 =	sadd.s32 $0x88, s3;
	s6 =	simm.s32 @!p1 $0x1082;
	[sflag:s4] =	ssyncset.s32 $0xFFFFF086  }
0x25: {  	[simem:s6], [sflag:s4] =	dma.local [hbm:s3], $0xF7A  }
0x26: {  	[smem:$0x3F9B] =	sst s1;
	(tag) =	ssettag s2;
	_ =	strace s9  }
0x27: {  	s1 =	sld [smem:$0x3FAB]  }
0x28: {  	s2 =	sld [smem:$0x3FAC]  }
0x29: {  	s4 =	sld [smem:$0x3FAE]  }
0x2a: {  	p0 =	seq.s32 s5, $0x0;
	s5 =	sld [smem:$0x3FAF]  }
0x2b: {  	s6 =	sld [smem:$0x3FB0]  }
0x2c: {  	s7 =	sld [smem:$0x3FB1]  }
0x2d: {  	s3 =	simm.s32 $0x108;
	s8 =	sld [smem:$0x3FB2]  }
0x2e: {  	s3 =	simm.s32 @!p0 $0x1082;
	s9 =	sld [smem:$0x3FB3]  }
0x2f: {  	lr =	sadd.s32 s0, s3;
	s0 =	sld [smem:$0x3FAA]  }
0x30: {  	s3 =	sld [smem:$0x3FAD]  }
0x31: {  	[smem:$0x3FB6] =	sst s10  }
0x32: {  	s10 =	sld [smem:$0x3FB4];
	_ =	sdelay $0x3  }
0x33: {  	p0 =	seq.s32 s10, $0x1;
	s10 =	sld [smem:$0x3FB6];
	_ =	sdelay $0x3  }
0x34: {  	[smem:$0x3FB6] =	sst s10  }
0x35: {  	s10 =	sld [smem:$0x3FB5];
	_ =	sdelay $0x3  }
0x36: {  	p1 =	seq.s32 s10, $0x1;
	s10 =	sld [smem:$0x3FB6];
	_ =	sdelay $0x3  }
0x37: {  	[smem:$0x3FB6] =	sst s10  }
0x38: {  	s10 =	sld [smem:$0x3FB7]  }
0x39: {  	_ = 	snop;
	(pc) =	sbr.ind lr, $3  }
0x3a: {  	_ = 	snop  }
0x3b: {  	_ = 	snop  }
0x3c: {  	p2 =	seq.s32 s10, $0x1;
	s10 =	sld [smem:$0x3FB6]  }
0x3d: {  	_ =	shalt  }
0x3e: {  	_ =	shalt  }
0x3f: {  	_ =	shalt  }
0x40: {  	_ =	shalt  }
0x41: {  	_ =	shalt  }
0x42: {  	_ =	shalt  }
0x43: {  	_ =	shalt  }
0x44: {  	_ =	shalt  }
0x45: {  	_ =	shalt  }
0x46: {  	_ =	shalt  }
0x47: {  	_ =	shalt  }
0x48: {  	_ =	shalt  }
0x49: {  	_ =	shalt  }
0x4a: {  	_ =	shalt  }
0x4b: {  	_ =	shalt  }
0x4c: {  	_ =	shalt  }
0x4d: {  	_ =	shalt  }
0x4e: {  	_ =	shalt  }
0x4f: {  	_ =	shalt  }
0x50: {  	_ =	shalt  }
0x51: {  	_ =	shalt  }
0x52: {  	_ =	shalt  }
0x53: {  	_ =	shalt  }
0x54: {  	_ =	shalt  }
0x55: {  	_ =	shalt  }
0x56: {  	_ =	shalt  }
0x57: {  	_ =	shalt  }
0x58: {  	_ =	shalt  }
0x59: {  	_ =	shalt  }
0x5a: {  	_ =	shalt  }
0x5b: {  	_ =	shalt  }
0x5c: {  	_ =	shalt  }
0x5d: {  	_ =	shalt  }
0x5e: {  	_ =	shalt  }
0x5f: {  	_ =	shalt  }
0x60: {  	_ =	shalt  }
0x61: {  	_ =	shalt  }
0x62: {  	_ =	shalt  }
0x63: {  	_ =	shalt  }
0x64: {  	_ =	shalt  }
0x65: {  	_ =	shalt  }
0x66: {  	_ =	shalt  }
0x67: {  	_ =	shalt  }
0x68: {  	_ =	shalt  }
0x69: {  	_ =	shalt  }
0x6a: {  	_ =	shalt  }
0x6b: {  	_ =	shalt  }
0x6c: {  	_ =	shalt  }
0x6d: {  	_ =	shalt  }
0x6e: {  	_ =	shalt  }
0x6f: {  	_ =	shalt  }
0x70: {  	_ =	shalt  }
0x71: {  	_ =	shalt  }
0x72: {  	_ =	shalt  }
0x73: {  	_ =	shalt  }
0x74: {  	_ =	shalt  }
0x75: {  	_ =	shalt  }
0x76: {  	_ =	shalt  }
0x77: {  	_ =	shalt  }
0x78: {  	_ =	shalt  }
0x79: {  	_ =	shalt  }
0x7a: {  	_ =	shalt  }
0x7b: {  	_ =	shalt  }
0x7c: {  	_ =	shalt  }
0x7d: {  	_ =	shalt  }
0x7e: {  	_ =	shalt  }
0x7f: {  	_ =	shalt  }
0x80: {  	_ =	shalt  }
0x81: {  	_ =	shalt  }
0x82: {  	_ =	shalt  }
0x83: {  	_ =	shalt  }
0x84: {  	_ =	shalt  }
0x85: {  	_ =	shalt  }
0x86: {  	_ =	shalt  }
0x87: {  	_ =	shalt  }
.Lfunc_end0:
.L_simem_size_0:
called_computation_lowered:
.L_overlay_start_0:
0x88: {  	s2 =	sld [smem:$0x3FD9]  }
0x89: {  	s3 =	sld [smem:$0x3FFE];
	_ =	sdelay $0x1  }
0x8a: {  	s1 =	srdreg.scid  }
0x8b: {  	s0 =	sand.u32 $0x1, s1  }
0x8c: {  	s17 =	sshll.u32 s0, $0xA;
	s2 =	sadd.s32 s3, s2  }
0x8d: {  	s2 =	sadd.s32 s2, s17  }
0x8e: {  	[smem:$0x3FC2] =	sst s2  }
0x8f: {  	_ = 	snop  }
0x90: {  	s2 =	sld [smem:$0x3FD0];
	(tm) =	ssettm $0x1  }
0x91: {  	s18 =	sld [smem:$0x3FFB];
	_ =	sdelay $0x3  }
0x92: {  	_ =	strace s18  }
0x93: {  	s3 =	sld [smem:$0x3FFC];
	_ =	sdelay $0x3  }
0x94: {  	_ =	strace s3  }
0x95: {  	s3 =	sld [smem:$0x3FFD];
	_ =	sdelay $0x3  }
0x96: {  	_ =	strace s3  }
0x97: {  	_ =	strace $0x8FFFFFFF  }
0x98: {  	s19 =	sld [smem:$0x3FDB];
	_ =	sdelay $0x1  }
0x99: {  	s4 =	simm.s32 $_scs_section_size  }
0x9a: {  	s5 =	simm.s32 $_size__tile_overlayer_lowered;
	s6 =	simm.s32 $_tile_overlayer_lowered  }
0x9b: {  	s22 =	simm.s32 $0x1BFF;
	s21 =	sshll.u32 s6, $0x1;
	s3 =	sadd.s32 s4, s19  }
0x9c: {  	s7 =	simm.s32 $0x0;
	s20 =	sshll.u32 s5, $0x1;
	s5 =	sadd.s32 s21, s3  }
0x9d: {  	[timem:s7], [sflag:s22] =	dma.local [hbm:s5], s20  }
0x9e: {  	_ =	swait.ge [sflag:s22], s20  }
0x9f: {  	s4 =	ssub.s32 $0x0, s20;
	[sflag:s22] =	ssyncset.done $0x0  }
0xa0: {  	[sflag:s22] =	ssyncadd.s32 s4;
	_ =	sdelay $0x1  }
0xa1: {  	s23 =	simm.s32 $0x1B8B  }
0xa2: {  	_ =	swait.ge [sflag:s23], $0x1  }
0xa3: {  	[sflag:s23] =	ssyncset.done $0x0  }
0xa4: {  	s25 =	simm.s32 $0x1B8E;
	s24 =	sld [smem:$0x3FFE];
	[sflag:s23] =	ssyncadd.s32 $0xFFFFFFFF  }
0xa5: {  	s26 =	simm.s32 $execute0_lowered;
	[smem:$0x3FD2] =	sst s25  }
0xa6: {  	s5 =	sshll.u32 s26, $0x1;
	_ =	strace $0x80000046;
	[dreg:$0x1] =	wrdreg $0xFFFFFFFF  }
0xa7: {  	s28 =	simm.s32 $_size_execute0_lowered;
	s3 =	sadd.s32 s3, s5;
	[dreg:$0x0] =	wrdreg $0x0  }
0xa8: {  	s5 =	sshll.u32 s28, $0x1;
	[dreg:$0x2] =	wrdreg s3  }
0xa9: {  	[dreg:$0x3] =	wrdreg s5  }
0xaa: {  	[dreg:$0x4] =	wrdreg $0xC0  }
0xab: {  	_ =	task [dreg:s7], $0x5FFFF  }
0xac: {  	[dreg:$0x1] =	wrdreg $0xFFFFFFFF  }
0xad: {  	[dreg:$0x0] =	wrdreg $0x60  }
0xae: {  	[dreg:$0x2] =	wrdreg s2  }
0xaf: {  	[dreg:$0x3] =	wrdreg s24  }
0xb0: {  	[dreg:$0x4] =	wrdreg $0x48000  }
0xb1: {  	[dreg:$0x5] =	wrdreg $0x9  }
0xb2: {  	_ =	task.clear_ibuf [dreg:s7], $0x6FFFF;
	_ =	strace $0x90000046  }
0xb3: {  	s29 =	simm.s32 $0x9;
	_ =	strace $0x80000048  }
0xb4: {  	_ =	swait.ge [sflag:s29], $0x1  }
0xb5: {  	[sflag:s29] =	ssyncadd.s32 $0xFFFFFFFF  }
0xb6: {  	_ =	strace $0x90000048  }
0xb7: {  	_ =	sfence  }
0xb8: {  	s30 =	sld [smem:$0x0];
	_ =	sdelay $0x2  }
0xb9: {  	s31 =	sshll.u32 s1, $0xD;
	s1 =	sshrl.u32 s1, $0x2  }
0xba: {  	s3 =	sand.u32 $0x4000, s31;
	s1 =	sadd.s32 s1, s30  }
0xbb: {  	s0 =	sor.u32 s3, s0;
	s1 =	sshll.u32 s1, $0x11  }
0xbc: {  	s0 =	sor.u32 s1, s0  }
0xbd: {  	s0 =	sadd.s32 $0x8F2B, s0  }
0xbe: {  	[sflag:s0] =	ssyncadd.remote.s32 $0x1  }
0xbf: {  	_ =	sfence.sel $0xFFFF  }
0xc0: {  	[dreg:$0x0] =	wrdreg $0xFFFFFFFF;
	(pc) =	sbr.abs _section_cstart, $3  }
0xc1: {  	[dreg:$0x1] =	wrdreg $0xFFFFFFFF  }
0xc2: {  	_ =	task.clear_ibuf [dreg:s7], $0x2FFFF;
	_ =	strace $0x9FFFFFFF  }
0xc3: {  	(tm) =	ssettm $0x7FFFFFFF  }
tec
execute0_lowered:
.L_overlay_start_1:
0x0: {  	(tag) =	ssettag $0x1  }
0x1: {  	s7 =	rddreg [dreg:$0x0]  }
0x2: {  	s30 =	rddreg [dreg:$0x1]  }
0x3: {  	s1 =	rddreg [dreg:$0x2];
	s3 =	simm.s32 $0x0;
	s2 =	stileid.u32  }
0x4: {  	s4 =	srdreg.scid;
	[smem:$0x7FF] =	sst s3;
	s0 =	sadd.s32 $0x1E00, s30  }
0x5: {  	_ =	strace $0x80000047;
	[dreg:$0x4] =	wrdreg s0;
	s0 =	smul.u32 $0x2800, s2  }
0x6: {  	s31 =	sand.u32 $0x1, s4;
	s25 =	sshll.u32 s2, $0x6;
	s6 =	sshll.u32 s2, $0x1  }
0x7: {  	s4 =	sor.u32 $0x1C01, s25;
	s9 =	sor.u32 s31, s6;
	s5 =	sadd.s32 s0, s1  }
0x8: {  	s8 =	rddreg [dreg:$0x4];
	s6 =	sshrl.u32 s5, $0x3;
	s5 =	simm.s32 $0x1  }
0x9: {  	[spmem:s6], [sflag:s4] =	dma.local [hbm:s8], $0x500  }
0xa: {  	s26 =	smul.u32 $0x500, s9;
	_ =	swait.ge [sflag:s5], $0x500  }
0xb: {  	[sflag:s5] =	ssyncset.done $0x0  }
0xc: {  	s7 =	sadd.s32 s7, s26;
	[sflag:s5] =	ssyncadd.s32 $0xFFFFFB00  }
0xd: {  	[tilespmem:s3], [sflag:$0x1] =	stream.linear.gather [hbm4b:s7+s3], $0x2800, $0x38;
	[tilespmem:$0x7000] =	vst v63  }
0xe: {  	_ =	swait.ge [sflag:s5], $0x2800  }
0xf: {  	[sflag:s5] =	ssyncset.done $0x0  }
0x10: {  	s9 =	simm.s32 $0x2800;
	s8 =	sadd.s32 $0x2400, s30;
	[sflag:s5] =	ssyncadd.s32 $0xFFFFD800  }
0x11: {  	[tilespmem:s9], [sflag:$0x1] =	stream.linear.gather [hbm4b:s8+s3], $0x2000, $0x38;
	[tilespmem:$0x7000] =	vst v63  }
0x12: {  	_ =	swait.ge [sflag:s5], $0x2000  }
0x13: {  	[sflag:s5] =	ssyncset.done $0x0  }
0x14: {  	[sflag:s5] =	ssyncadd.s32 $0xFFFFE000  }
0x15: {  	s10 =	simm.s32 $0x200;
	[bflag:$0x0] =	sbarrier.arrive $0xFFFF  }
0x16: {  	[spmem:s1] =	stream.indirect.scatter.add.f32 [tilespmem:s9], [sflag:$0x1], $0x10, s3, s10, $0xb8;
	[tilespmem:$0x7000] =	vst v63  }
0x17: {  	_ =	swait.ge [sflag:s5], $0x2000  }
0x18: {  	[sflag:s5] =	ssyncset.done $0x0  }
0x19: {  	[sflag:s5] =	ssyncadd.s32 $0xFFFFE000  }
0x1a: {  	[spmem:s1] =	stream.indirect.scatter.add.f32 [tilespmem:s9], [sflag:$0x1], $0x10, s10, s10, $0xb8;
	[tilespmem:$0x7000] =	vst v63  }
0x1b: {  	_ =	swait.ge [sflag:s5], $0x2000  }
0x1c: {  	[sflag:s5] =	ssyncset.done $0x0  }
0x1d: {  	s11 =	simm.s32 $0x400;
	[sflag:s5] =	ssyncadd.s32 $0xFFFFE000  }
0x1e: {  	[spmem:s1] =	stream.indirect.scatter.add.f32 [tilespmem:s9], [sflag:$0x1], $0x10, s11, s10, $0xb8;
	[tilespmem:$0x7000] =	vst v63  }
0x1f: {  	_ =	swait.ge [sflag:s5], $0x2000  }
0x20: {  	[sflag:s5] =	ssyncset.done $0x0  }
0x21: {  	s12 =	simm.s32 $0x600;
	[sflag:s5] =	ssyncadd.s32 $0xFFFFE000  }
0x22: {  	[spmem:s1] =	stream.indirect.scatter.add.f32 [tilespmem:s9], [sflag:$0x1], $0x10, s12, s10, $0xb8;
	[tilespmem:$0x7000] =	vst v63  }
0x23: {  	_ =	swait.ge [sflag:s5], $0x2000  }
0x24: {  	[sflag:s5] =	ssyncset.done $0x0  }
0x25: {  	s13 =	simm.s32 $0x800;
	[sflag:s5] =	ssyncadd.s32 $0xFFFFE000  }
0x26: {  	[spmem:s1] =	stream.indirect.scatter.add.f32 [tilespmem:s9], [sflag:$0x1], $0x10, s13, s10, $0xb8;
	[tilespmem:$0x7000] =	vst v63  }
0x27: {  	_ =	swait.ge [sflag:s5], $0x2000  }
0x28: {  	[sflag:s5] =	ssyncset.done $0x0  }
0x29: {  	s14 =	simm.s32 $0xA00;
	[sflag:s5] =	ssyncadd.s32 $0xFFFFE000  }
0x2a: {  	[spmem:s1] =	stream.indirect.scatter.add.f32 [tilespmem:s9], [sflag:$0x1], $0x10, s14, s10, $0xb8;
	[tilespmem:$0x7000] =	vst v63  }
0x2b: {  	_ =	swait.ge [sflag:s5], $0x2000  }
0x2c: {  	[sflag:s5] =	ssyncset.done $0x0  }
0x2d: {  	s15 =	simm.s32 $0xC00;
	[sflag:s5] =	ssyncadd.s32 $0xFFFFE000  }
0x2e: {  	[spmem:s1] =	stream.indirect.scatter.add.f32 [tilespmem:s9], [sflag:$0x1], $0x10, s15, s10, $0xb8;
	[tilespmem:$0x7000] =	vst v63  }
0x2f: {  	_ =	swait.ge [sflag:s5], $0x2000  }
0x30: {  	[sflag:s5] =	ssyncset.done $0x0  }
0x31: {  	s16 =	simm.s32 $0xE00;
	[sflag:s5] =	ssyncadd.s32 $0xFFFFE000  }
0x32: {  	[spmem:s1] =	stream.indirect.scatter.add.f32 [tilespmem:s9], [sflag:$0x1], $0x10, s16, s10, $0xb8;
	[tilespmem:$0x7000] =	vst v63  }
0x33: {  	_ =	swait.ge [sflag:s5], $0x2000  }
0x34: {  	[sflag:s5] =	ssyncset.done $0x0  }
0x35: {  	s17 =	simm.s32 $0x1000;
	[sflag:s5] =	ssyncadd.s32 $0xFFFFE000  }
0x36: {  	[spmem:s1] =	stream.indirect.scatter.add.f32 [tilespmem:s9], [sflag:$0x1], $0x10, s17, s10, $0xb8;
	[tilespmem:$0x7000] =	vst v63  }
0x37: {  	_ =	swait.ge [sflag:s5], $0x2000  }
0x38: {  	[sflag:s5] =	ssyncset.done $0x0  }
0x39: {  	s18 =	simm.s32 $0x1200;
	[sflag:s5] =	ssyncadd.s32 $0xFFFFE000  }
0x3a: {  	[spmem:s1] =	stream.indirect.scatter.add.f32 [tilespmem:s9], [sflag:$0x1], $0x10, s18, s10, $0xb8;
	[tilespmem:$0x7000] =	vst v63  }
0x3b: {  	_ =	swait.ge [sflag:s5], $0x2000  }
0x3c: {  	[sflag:s5] =	ssyncset.done $0x0  }
0x3d: {  	s19 =	simm.s32 $0x1400;
	[sflag:s5] =	ssyncadd.s32 $0xFFFFE000  }
0x3e: {  	[spmem:s1] =	stream.indirect.scatter.add.f32 [tilespmem:s9], [sflag:$0x1], $0x10, s19, s10, $0xb8;
	[tilespmem:$0x7000] =	vst v63  }
0x3f: {  	_ =	swait.ge [sflag:s5], $0x2000  }
0x40: {  	[sflag:s5] =	ssyncset.done $0x0  }
0x41: {  	s20 =	simm.s32 $0x1600;
	[sflag:s5] =	ssyncadd.s32 $0xFFFFE000  }
0x42: {  	[spmem:s1] =	stream.indirect.scatter.add.f32 [tilespmem:s9], [sflag:$0x1], $0x10, s20, s10, $0xb8;
	[tilespmem:$0x7000] =	vst v63  }
0x43: {  	_ =	swait.ge [sflag:s5], $0x2000  }
0x44: {  	[sflag:s5] =	ssyncset.done $0x0  }
0x45: {  	s21 =	simm.s32 $0x1800;
	[sflag:s5] =	ssyncadd.s32 $0xFFFFE000  }
0x46: {  	[spmem:s1] =	stream.indirect.scatter.add.f32 [tilespmem:s9], [sflag:$0x1], $0x10, s21, s10, $0xb8;
	[tilespmem:$0x7000] =	vst v63  }
0x47: {  	_ =	swait.ge [sflag:s5], $0x2000  }
0x48: {  	[sflag:s5] =	ssyncset.done $0x0  }
0x49: {  	s22 =	simm.s32 $0x1A00;
	[sflag:s5] =	ssyncadd.s32 $0xFFFFE000  }
0x4a: {  	[spmem:s1] =	stream.indirect.scatter.add.f32 [tilespmem:s9], [sflag:$0x1], $0x10, s22, s10, $0xb8;
	[tilespmem:$0x7000] =	vst v63  }
0x4b: {  	_ =	swait.ge [sflag:s5], $0x2000  }
0x4c: {  	[sflag:s5] =	ssyncset.done $0x0  }
0x4d: {  	s23 =	simm.s32 $0x1C00;
	[sflag:s5] =	ssyncadd.s32 $0xFFFFE000  }
0x4e: {  	[spmem:s1] =	stream.indirect.scatter.add.f32 [tilespmem:s9], [sflag:$0x1], $0x10, s23, s10, $0xb8;
	[tilespmem:$0x7000] =	vst v63  }
0x4f: {  	_ =	swait.ge [sflag:s5], $0x2000  }
0x50: {  	[sflag:s5] =	ssyncset.done $0x0  }
0x51: {  	s24 =	simm.s32 $0x1E00;
	[sflag:s5] =	ssyncadd.s32 $0xFFFFE000  }
0x52: {  	[spmem:s1] =	stream.indirect.scatter.add.f32 [tilespmem:s9], [sflag:$0x1], $0x10, s24, s10, $0xb8;
	[tilespmem:$0x7000] =	vst v63  }
0x53: {  	_ =	swait.ge [sflag:s5], $0x2000  }
0x54: {  	[sflag:s5] =	ssyncset.done $0x0  }
0x55: {  	s25 =	simm.s32 $0x2000;
	[sflag:s5] =	ssyncadd.s32 $0xFFFFE000  }
0x56: {  	[spmem:s1] =	stream.indirect.scatter.add.f32 [tilespmem:s9], [sflag:$0x1], $0x10, s25, s10, $0xb8;
	[tilespmem:$0x7000] =	vst v63  }
0x57: {  	_ =	swait.ge [sflag:s5], $0x2000  }
0x58: {  	[sflag:s5] =	ssyncset.done $0x0  }
0x59: {  	s26 =	simm.s32 $0x2200;
	[sflag:s5] =	ssyncadd.s32 $0xFFFFE000  }
0x5a: {  	[spmem:s1] =	stream.indirect.scatter.add.f32 [tilespmem:s9], [sflag:$0x1], $0x10, s26, s10, $0xb8;
	[tilespmem:$0x7000] =	vst v63  }
0x5b: {  	s2 =	smul.u32 $0x28000, s31;
	_ =	swait.ge [sflag:s5], $0x2000  }
0x5c: {  	s28 =	simm.s32 $0x2400;
	[sflag:s5] =	ssyncset.done $0x0  }
0x5d: {  	s0 =	sadd.s32 s0, s2;
	s2 =	ssub.s32 $0x2, s31;
	[sflag:s5] =	ssyncadd.s32 $0xFFFFE000  }
0x5e: {  	[spmem:s1] =	stream.indirect.scatter.add.f32 [tilespmem:s9], [sflag:$0x1], $0x10, s28, s10, $0xb8;
	[tilespmem:$0x7000] =	vst v63  }
0x5f: {  	s31 =	sshrl.u32 s2, $0x1;
	_ =	swait.ge [sflag:s5], $0x2000  }
0x60: {  	s2 =	ssub.s32 s2, s31;
	[sflag:s5] =	ssyncset.done $0x0  }
0x61: {  	s29 =	simm.s32 $0x2600;
	s2 =	smax.u32 s2, $0x1;
	[sflag:s5] =	ssyncadd.s32 $0xFFFFE000  }
0x62: {  	[spmem:s1] =	stream.indirect.scatter.add.f32 [tilespmem:s9], [sflag:$0x1], $0x10, s29, s10, $0xb8;
	[tilespmem:$0x7000] =	vst v63  }
0x63: {  	p0 =	sne.s32 s2, $0x1;
	_ =	swait.ge [sflag:s5], $0x2000  }
.Ltmp0:
0x64: {  	s0 =	sshrl.u32 s0, $0x3;
	[sflag:s5] =	ssyncset.done $0x0;
	(pc) =	sbr.rel @!p0 .LBB2_2-.Ltmp0, $4  }
0x65: {  	s0 =	sadd.s32 s0, s30;
	[sflag:s5] =	ssyncadd.s32 $0xFFFFE000  }
0x66: {  	s30 =	sadd.s32 $0x2800, s0;
	[bflag:$0x0] =	sbarrier.arrive $0xFFFF  }
0x67: {  	[hbm:s30], [sflag:s4] =	dma.local [spmem:s6], $0x500  }
0x68: {  	s31 =	sadd.s32 $0xFFFFFFFF, s2;
	_ =	swait.ge [sflag:s5], $0x500  }
.LBB2_1:
0x69: {  	[sflag:s5] =	ssyncset.done $0x0  }
0x6a: {  	s0 =	rddreg [dreg:$0x4];
	[sflag:s5] =	ssyncadd.s32 $0xFFFFFB00  }
0x6b: {  	[spmem:s6], [sflag:s4] =	dma.local [hbm:s0], $0x500  }
0x6c: {  	_ =	swait.ge [sflag:s5], $0x500  }
0x6d: {  	[sflag:s5] =	ssyncset.done $0x0  }
0x6e: {  	[sflag:s5] =	ssyncadd.s32 $0xFFFFFB00  }
0x6f: {  	[tilespmem:s3], [sflag:$0x1] =	stream.linear.gather [hbm4b:s7+s3], $0x2800, $0x38;
	[tilespmem:$0x7000] =	vst v63  }
0x70: {  	_ =	swait.ge [sflag:s5], $0x2800  }
0x71: {  	[sflag:s5] =	ssyncset.done $0x0  }
0x72: {  	[sflag:s5] =	ssyncadd.s32 $0xFFFFD800  }
0x73: {  	[tilespmem:s9], [sflag:$0x1] =	stream.linear.gather [hbm4b:s8+s3], $0x2000, $0x38;
	[tilespmem:$0x7000] =	vst v63  }
0x74: {  	_ =	swait.ge [sflag:s5], $0x2000  }
0x75: {  	[sflag:s5] =	ssyncset.done $0x0  }
0x76: {  	[sflag:s5] =	ssyncadd.s32 $0xFFFFE000  }
0x77: {  	[bflag:$0x0] =	sbarrier.arrive $0xFFFF  }
0x78: {  	[spmem:s1] =	stream.indirect.scatter.add.f32 [tilespmem:s9], [sflag:$0x1], $0x10, s3, s10, $0xb8;
	[tilespmem:$0x7000] =	vst v63  }
0x79: {  	_ =	swait.ge [sflag:s5], $0x2000  }
0x7a: {  	[sflag:s5] =	ssyncset.done $0x0  }
0x7b: {  	[sflag:s5] =	ssyncadd.s32 $0xFFFFE000  }
0x7c: {  	[spmem:s1] =	stream.indirect.scatter.add.f32 [tilespmem:s9], [sflag:$0x1], $0x10, s10, s10, $0xb8;
	[tilespmem:$0x7000] =	vst v63  }
0x7d: {  	_ =	swait.ge [sflag:s5], $0x2000  }
0x7e: {  	[sflag:s5] =	ssyncset.done $0x0  }
0x7f: {  	[sflag:s5] =	ssyncadd.s32 $0xFFFFE000  }
0x80: {  	[spmem:s1] =	stream.indirect.scatter.add.f32 [tilespmem:s9], [sflag:$0x1], $0x10, s11, s10, $0xb8;
	[tilespmem:$0x7000] =	vst v63  }
0x81: {  	_ =	swait.ge [sflag:s5], $0x2000  }
0x82: {  	[sflag:s5] =	ssyncset.done $0x0  }
0x83: {  	[sflag:s5] =	ssyncadd.s32 $0xFFFFE000  }
0x84: {  	[spmem:s1] =	stream.indirect.scatter.add.f32 [tilespmem:s9], [sflag:$0x1], $0x10, s12, s10, $0xb8;
	[tilespmem:$0x7000] =	vst v63  }
0x85: {  	_ =	swait.ge [sflag:s5], $0x2000  }
0x86: {  	[sflag:s5] =	ssyncset.done $0x0  }
0x87: {  	[sflag:s5] =	ssyncadd.s32 $0xFFFFE000  }
0x88: {  	[spmem:s1] =	stream.indirect.scatter.add.f32 [tilespmem:s9], [sflag:$0x1], $0x10, s13, s10, $0xb8;
	[tilespmem:$0x7000] =	vst v63  }
0x89: {  	_ =	swait.ge [sflag:s5], $0x2000  }
0x8a: {  	[sflag:s5] =	ssyncset.done $0x0  }
0x8b: {  	[sflag:s5] =	ssyncadd.s32 $0xFFFFE000  }
0x8c: {  	[spmem:s1] =	stream.indirect.scatter.add.f32 [tilespmem:s9], [sflag:$0x1], $0x10, s14, s10, $0xb8;
	[tilespmem:$0x7000] =	vst v63  }
0x8d: {  	_ =	swait.ge [sflag:s5], $0x2000  }
0x8e: {  	[sflag:s5] =	ssyncset.done $0x0  }
0x8f: {  	[sflag:s5] =	ssyncadd.s32 $0xFFFFE000  }
0x90: {  	[spmem:s1] =	stream.indirect.scatter.add.f32 [tilespmem:s9], [sflag:$0x1], $0x10, s15, s10, $0xb8;
	[tilespmem:$0x7000] =	vst v63  }
0x91: {  	_ =	swait.ge [sflag:s5], $0x2000  }
0x92: {  	[sflag:s5] =	ssyncset.done $0x0  }
0x93: {  	[sflag:s5] =	ssyncadd.s32 $0xFFFFE000  }
0x94: {  	[spmem:s1] =	stream.indirect.scatter.add.f32 [tilespmem:s9], [sflag:$0x1], $0x10, s16, s10, $0xb8;
	[tilespmem:$0x7000] =	vst v63  }
0x95: {  	_ =	swait.ge [sflag:s5], $0x2000  }
0x96: {  	[sflag:s5] =	ssyncset.done $0x0  }
0x97: {  	[sflag:s5] =	ssyncadd.s32 $0xFFFFE000  }
0x98: {  	[spmem:s1] =	stream.indirect.scatter.add.f32 [tilespmem:s9], [sflag:$0x1], $0x10, s17, s10, $0xb8;
	[tilespmem:$0x7000] =	vst v63  }
0x99: {  	_ =	swait.ge [sflag:s5], $0x2000  }
0x9a: {  	[sflag:s5] =	ssyncset.done $0x0  }
0x9b: {  	[sflag:s5] =	ssyncadd.s32 $0xFFFFE000  }
0x9c: {  	[spmem:s1] =	stream.indirect.scatter.add.f32 [tilespmem:s9], [sflag:$0x1], $0x10, s18, s10, $0xb8;
	[tilespmem:$0x7000] =	vst v63  }
0x9d: {  	_ =	swait.ge [sflag:s5], $0x2000  }
0x9e: {  	[sflag:s5] =	ssyncset.done $0x0  }
0x9f: {  	[sflag:s5] =	ssyncadd.s32 $0xFFFFE000  }
0xa0: {  	[spmem:s1] =	stream.indirect.scatter.add.f32 [tilespmem:s9], [sflag:$0x1], $0x10, s19, s10, $0xb8;
	[tilespmem:$0x7000] =	vst v63  }
0xa1: {  	_ =	swait.ge [sflag:s5], $0x2000  }
0xa2: {  	[sflag:s5] =	ssyncset.done $0x0  }
0xa3: {  	[sflag:s5] =	ssyncadd.s32 $0xFFFFE000  }
0xa4: {  	[spmem:s1] =	stream.indirect.scatter.add.f32 [tilespmem:s9], [sflag:$0x1], $0x10, s20, s10, $0xb8;
	[tilespmem:$0x7000] =	vst v63  }
0xa5: {  	_ =	swait.ge [sflag:s5], $0x2000  }
0xa6: {  	[sflag:s5] =	ssyncset.done $0x0  }
0xa7: {  	[sflag:s5] =	ssyncadd.s32 $0xFFFFE000  }
0xa8: {  	[spmem:s1] =	stream.indirect.scatter.add.f32 [tilespmem:s9], [sflag:$0x1], $0x10, s21, s10, $0xb8;
	[tilespmem:$0x7000] =	vst v63  }
0xa9: {  	_ =	swait.ge [sflag:s5], $0x2000  }
0xaa: {  	[sflag:s5] =	ssyncset.done $0x0  }
0xab: {  	[sflag:s5] =	ssyncadd.s32 $0xFFFFE000  }
0xac: {  	[spmem:s1] =	stream.indirect.scatter.add.f32 [tilespmem:s9], [sflag:$0x1], $0x10, s22, s10, $0xb8;
	[tilespmem:$0x7000] =	vst v63  }
0xad: {  	_ =	swait.ge [sflag:s5], $0x2000  }
0xae: {  	[sflag:s5] =	ssyncset.done $0x0  }
0xaf: {  	[sflag:s5] =	ssyncadd.s32 $0xFFFFE000  }
0xb0: {  	[spmem:s1] =	stream.indirect.scatter.add.f32 [tilespmem:s9], [sflag:$0x1], $0x10, s23, s10, $0xb8;
	[tilespmem:$0x7000] =	vst v63  }
0xb1: {  	_ =	swait.ge [sflag:s5], $0x2000  }
0xb2: {  	[sflag:s5] =	ssyncset.done $0x0  }
0xb3: {  	[sflag:s5] =	ssyncadd.s32 $0xFFFFE000  }
0xb4: {  	[spmem:s1] =	stream.indirect.scatter.add.f32 [tilespmem:s9], [sflag:$0x1], $0x10, s24, s10, $0xb8;
	[tilespmem:$0x7000] =	vst v63  }
0xb5: {  	_ =	swait.ge [sflag:s5], $0x2000  }
0xb6: {  	[sflag:s5] =	ssyncset.done $0x0  }
0xb7: {  	[sflag:s5] =	ssyncadd.s32 $0xFFFFE000  }
0xb8: {  	[spmem:s1] =	stream.indirect.scatter.add.f32 [tilespmem:s9], [sflag:$0x1], $0x10, s25, s10, $0xb8;
	[tilespmem:$0x7000] =	vst v63  }
0xb9: {  	_ =	swait.ge [sflag:s5], $0x2000  }
0xba: {  	[sflag:s5] =	ssyncset.done $0x0  }
0xbb: {  	[sflag:s5] =	ssyncadd.s32 $0xFFFFE000  }
0xbc: {  	[spmem:s1] =	stream.indirect.scatter.add.f32 [tilespmem:s9], [sflag:$0x1], $0x10, s26, s10, $0xb8;
	[tilespmem:$0x7000] =	vst v63  }
0xbd: {  	_ =	swait.ge [sflag:s5], $0x2000  }
0xbe: {  	[sflag:s5] =	ssyncset.done $0x0  }
0xbf: {  	[sflag:s5] =	ssyncadd.s32 $0xFFFFE000  }
0xc0: {  	[spmem:s1] =	stream.indirect.scatter.add.f32 [tilespmem:s9], [sflag:$0x1], $0x10, s28, s10, $0xb8;
	[tilespmem:$0x7000] =	vst v63  }
0xc1: {  	_ =	swait.ge [sflag:s5], $0x2000  }
0xc2: {  	[sflag:s5] =	ssyncset.done $0x0  }
0xc3: {  	[sflag:s5] =	ssyncadd.s32 $0xFFFFE000  }
0xc4: {  	[spmem:s1] =	stream.indirect.scatter.add.f32 [tilespmem:s9], [sflag:$0x1], $0x10, s29, s10, $0xb8;
	[tilespmem:$0x7000] =	vst v63  }
0xc5: {  	p0 =	sne.s32 s31, $0x1;
	_ =	swait.ge [sflag:s5], $0x2000  }
.Ltmp1:
0xc6: {  	[sflag:s5] =	ssyncset.done $0x0;
	(pc) =	sbr.rel @p0 .LBB2_1-.Ltmp1, $4  }
0xc7: {  	[sflag:s5] =	ssyncadd.s32 $0xFFFFE000  }
0xc8: {  	[bflag:$0x0] =	sbarrier.arrive $0xFFFF  }
0xc9: {  	[hbm:s30], [sflag:s4] =	dma.local [spmem:s6], $0x500  }
0xca: {  	s31 =	sadd.s32 $0xFFFFFFFF, s31;
	_ =	swait.ge [sflag:s5], $0x500  }
.LBB2_2:
0xcb: {  	[sflag:s5] =	ssyncset.done $0x0  }
0xcc: {  	[sflag:s5] =	ssyncadd.s32 $0xFFFFFB00  }
0xcd: {  	_ =	sfence.sel $0x180000  }
0xce: {  	[bflag:$0x0] =	sbarrier.arrive $0xFFFF  }
0xcf: {  	_ =	strace $0x90000047  }
0xd0: {  	s0 =	stileid.u32;
	[bflag:$0x2] =	sbarrier.arrive $0xFFFF  }
0xd1: {  	p0 =	sne.s32 s0, $0x0;
	s0 =	rddreg [dreg:$0x3]  }
0xd2: {  	s0 =	sadd.s32 @!p0 $0x100000, s0  }
0xd3: {  	[sflag:s0] =	ssyncadd.tile.s32 @!p0 $0x1;
	_ =	shalt  }
.Lfunc_end2:
_tile_overlayer_lowered:
.L_overlay_start_2:
0xd4: {  	(tag) =	ssettag $0x2  }
0xd5: {  	s0 =	rddreg [dreg:$0x0];
	s2 =	stileid.u32  }
0xd6: {  	s1 =	rddreg [dreg:$0x1];
	p0 =	sne.s32 s2, $0x0  }
0xd7: {  	s3 =	rddreg [dreg:$0x2];
	[bflag:$0x3] =	sbarrier.arrive $0xFFFF;
	s2 =	simm.s32 @!p0 $0x1C01  }
0xd8: {  	[timem:s3], [sflag:s2] =	dma.local @!p0 [hbm:s0], s1  }
0xd9: {  	s0 =	simm.s32 @!p0 $0x1  }
0xda: {  	_ =	swait.ge @!p0 [sflag:s0], s1  }
0xdb: {  	s1 =	ssub.s32 @!p0 $0x0, s1;
	[sflag:s0] =	ssyncset.done @!p0 $0x0  }
0xdc: {  	[sflag:s0] =	ssyncadd.s32 @!p0 s1  }
0xdd: {  	[bflag:$0x3] =	sbarrier.arrive $0xFFFF  }
0xde: {  	_ =	shalt  }

</sc_bundles>
